<compile_context>
chip_gen: v7x
topology: tpu7x:2x2x1
jax: 0.10.2.dev20260603
libtpu: 0.0.44.dev20260713+nightly
codegen_flags: <defaults>
</compile_context>

<pallas_src>
import functools

import jax
import jax.numpy as jnp
from jax import lax
from jax.experimental import pallas as pl
from jax.experimental.pallas import tpu as pltpu
from jax.experimental.pallas import tpu_sc as plsc

N = 10000
NP = 10240
E = 320000
NG = 64
NT = 512
ED = 16
H = 128
D0 = 144
D1 = 128
RB = 512
NB = NP // RB
CH = 128
NTILES = 32
KCH = 79
EP = NTILES * KCH * CH
RPT = NP // 16

_f32 = jnp.float32


def _prep_body(x_ref, emb_ref, out_ref):
    xb = x_ref[...]
    nt = xb[:, 0:1].astype(jnp.int32)
    onehot = (nt == lax.broadcasted_iota(jnp.int32, (RB, NT), 1)).astype(_f32)
    emb_rows = jnp.dot(onehot, emb_ref[...], preferred_element_type=_f32)
    zero_col = jnp.zeros((RB, 1), _f32)
    out_ref[...] = jnp.concatenate([xb[:, 1:], emb_rows, zero_col], axis=-1)


def _mlp_body(h_ref, a0_ref, a1_ref, W1_ref, b1_ref, W2_ref, b2_ref,
              g_ref, be_ref, out_ref):
    z = h_ref[...] + a0_ref[...] + a1_ref[...]
    a = jnp.maximum(jnp.dot(z, W1_ref[...], preferred_element_type=_f32)
                    + b1_ref[...], 0.0)
    o = jnp.dot(a, W2_ref[...], preferred_element_type=_f32) + b2_ref[...]
    mu = jnp.mean(o, axis=-1, keepdims=True)
    var = jnp.mean((o - mu) ** 2, axis=-1, keepdims=True)
    o = (o - mu) * lax.rsqrt(var + 1e-5) * g_ref[...] + be_ref[...]
    out_ref[...] = jnp.maximum(o, 0.0)


def _pool_body(h_ref, bc_ref, gW1_ref, gb1_ref, gW2_ref, gb2_ref,
               cW1_ref, cb1_ref, cW2_ref, cb2_ref, out_ref,
               gate_s, gmax_s, den_s, pool_s):
    p = pl.program_id(0)
    i = pl.program_id(1)
    hb = h_ref[...]
    bc = bc_ref[...]
    seg_ids = lax.broadcasted_iota(jnp.int32, (RB, NG), 1).astype(_f32)
    seg = (bc == seg_ids).astype(_f32)

    @pl.when(p == 0)
    def _phase_gate_max():
        g = jnp.dot(jnp.maximum(jnp.dot(hb, gW1_ref[...],
                                        preferred_element_type=_f32)
                                + gb1_ref[...], 0.0),
                    gW2_ref[...], preferred_element_type=_f32) + gb2_ref[...]
        gate_s[pl.ds(i * RB, RB), :] = g
        m = jnp.max(jnp.where(seg > 0.0, g, -1e30), axis=0, keepdims=True)
        prev = jnp.where(i == 0, jnp.full((1, NG), -1e30, _f32), gmax_s[...])
        gmax_s[...] = jnp.maximum(prev, m)

    @pl.when(p == 1)
    def _phase_denom():
        g = gate_s[pl.ds(i * RB, RB), :]
        gmaxn = jnp.sum(seg * gmax_s[...], axis=1, keepdims=True)
        alpha = jnp.exp(g - gmaxn) * seg.max(axis=1, keepdims=True)
        prev = jnp.where(i == 0, jnp.zeros((1, NG), _f32), den_s[...])
        den_s[...] = prev + jnp.sum(seg * alpha, axis=0, keepdims=True)

    @pl.when(p == 2)
    def _phase_weighted_sum():
        g = gate_s[pl.ds(i * RB, RB), :]
        gmaxn = jnp.sum(seg * gmax_s[...], axis=1, keepdims=True)
        alpha = jnp.exp(g - gmaxn)
        denn = jnp.sum(seg * den_s[...], axis=1, keepdims=True)
        w = alpha / (denn + 1e-16)
        contrib = lax.dot_general(seg, w * hb, (((0,), (0,)), ((), ())),
                                  preferred_element_type=_f32)
        prev = jnp.where(i == 0, jnp.zeros((NG, H), _f32), pool_s[...])
        pool_s[...] = prev + contrib

    @pl.when((p == 2) & (i == NB - 1))
    def _classify():
        pooled = pool_s[...]
        zc = jnp.maximum(jnp.dot(pooled, cW1_ref[...],
                                 preferred_element_type=_f32) + cb1_ref[...], 0.0)
        out_ref[...] = jnp.dot(zc, cW2_ref[...],
                               preferred_element_type=_f32) + cb2_ref[...]


def _make_edge_agg(D):
    mesh = plsc.VectorSubcoreMesh(core_axis_name="c", subcore_axis_name="s")

    @functools.partial(
        pl.kernel,
        out_type=jax.ShapeDtypeStruct((2 * NP, D), _f32),
        mesh=mesh,
        compiler_params=pltpu.CompilerParams(use_tc_tiling_on_sc=False),
        scratch_types=[
            pltpu.VMEM((CH,), jnp.int32),
            pltpu.VMEM((CH,), jnp.int32),
            pltpu.VMEM((CH,), jnp.int32),
            pltpu.VMEM((CH,), jnp.int32),
            pltpu.VMEM((CH, D), _f32),
            pltpu.VMEM((CH, D), _f32),
            pltpu.VMEM_SHARED((NP, D), _f32),
            pltpu.SemaphoreType.DMA,
            pltpu.SemaphoreType.DMA,
        ],
    )
    def edge_agg(h_hbm, src_hbm, dst_hbm, zeros_hbm, out_hbm,
                 src_v0, src_v1, dst_v0, dst_v1, rows0, rows1, agg_sh,
                 sem0, sem1):
        c = lax.axis_index("c")
        s = lax.axis_index("s")
        wid = s * 2 + c
        rbase = s * RPT
        ebase = wid * (KCH * CH)

        pltpu.sync_copy(zeros_hbm, rows0)
        def zero_body(m, carry):
            pltpu.sync_copy(rows0, agg_sh.at[pl.ds(rbase + m * CH, CH)])
            return carry
        lax.fori_loop(0, RPT // CH, zero_body, 0)

        pltpu.sync_copy(src_hbm.at[pl.ds(ebase, CH)], src_v0)
        pltpu.async_copy(h_hbm.at[src_v0], rows0, sem0)
        plsc.subcore_barrier()

        def edge_body(i, carry):
            j1 = 2 * i + 1
            j2 = j1 + 1
            pltpu.sync_copy(src_hbm.at[pl.ds(ebase + j1 * CH, CH)], src_v1)
            pltpu.async_copy(h_hbm.at[src_v1], rows1, sem1)
            pltpu.sync_copy(dst_hbm.at[pl.ds(ebase + (j1 - 1) * CH, CH)], dst_v0)
            pltpu.make_async_copy(h_hbm.at[src_v0], rows0, sem0).wait()
            pltpu.sync_copy(rows0, agg_sh.at[dst_v0], add=True)
            @pl.when(j2 < KCH)
            def _():
                pltpu.sync_copy(src_hbm.at[pl.ds(ebase + j2 * CH, CH)], src_v0)
                pltpu.async_copy(h_hbm.at[src_v0], rows0, sem0)
            pltpu.sync_copy(dst_hbm.at[pl.ds(ebase + j1 * CH, CH)], dst_v1)
            pltpu.make_async_copy(h_hbm.at[src_v1], rows1, sem1).wait()
            pltpu.sync_copy(rows1, agg_sh.at[dst_v1], add=True)
            return carry
        lax.fori_loop(0, KCH // 2, edge_body, 0)

        jt = KCH - 1
        pltpu.sync_copy(dst_hbm.at[pl.ds(ebase + jt * CH, CH)], dst_v0)
        pltpu.make_async_copy(h_hbm.at[src_v0], rows0, sem0).wait()
        pltpu.sync_copy(rows0, agg_sh.at[dst_v0], add=True)
        plsc.subcore_barrier()

        pltpu.sync_copy(agg_sh.at[pl.ds(rbase, RPT)],
                        out_hbm.at[pl.ds(c * NP + rbase, RPT)])

    return edge_agg


def _row_spec(D):
    return pl.BlockSpec((RB, D), lambda i: (i, 0))


def _full(shape):
    return pl.BlockSpec(shape, lambda i: (0, 0))


def kernel(x, edge_index, batch, emb,
           conv0_W1, conv0_b1, conv0_W2, conv0_b2,
           conv1_W1, conv1_b1, conv1_W2, conv1_b2,
           ln0_g, ln0_b, ln1_g, ln1_b,
           gate_W1, gate_b1, gate_W2, gate_b2,
           cls_W1, cls_b1, cls_W2, cls_b2):
    x_p = jnp.pad(x, ((0, NP - N), (0, 0)))
    emb_p = jnp.pad(emb, ((0, NT - emb.shape[0]), (0, 0)))
    pt = KCH * CH - E // NTILES
    src_p = jnp.pad(edge_index[0].reshape(NTILES, E // NTILES),
                    ((0, 0), (0, pt))).reshape(-1)
    dst_p = jnp.pad(edge_index[1].reshape(NTILES, E // NTILES),
                    ((0, 0), (0, pt)), constant_values=N).reshape(-1)
    bc = jnp.pad(batch.astype(_f32), (0, NP - N),
                 constant_values=float(NG))[:, None]
    W1_0 = jnp.pad(conv0_W1, ((0, D0 - conv0_W1.shape[0]), (0, 0)))
    z0 = jnp.zeros((CH, D0), _f32)
    z1 = jnp.zeros((CH, D1), _f32)
    row2 = lambda v: v[None, :]

    h0 = pl.pallas_call(
        _prep_body,
        grid=(NB,),
        in_specs=[_row_spec(128), _full((NT, ED))],
        out_specs=_row_spec(D0),
        out_shape=jax.ShapeDtypeStruct((NP, D0), _f32),
    )(x_p, emb_p)

    def gin_layer(h, D, W1, b1, W2, b2, g, be):
        parts = _make_edge_agg(D)(h, src_p, dst_p, z0 if D == D0 else z1)
        return pl.pallas_call(
            _mlp_body,
            grid=(NB,),
            in_specs=[
                _row_spec(D),
                pl.BlockSpec((RB, D), lambda i: (i, 0)),
                pl.BlockSpec((RB, D), lambda i: (i + NB, 0)),
                _full((D, H)), _full((1, H)), _full((H, H)), _full((1, H)),
                _full((1, H)), _full((1, H)),
            ],
            out_specs=_row_spec(H),
            out_shape=jax.ShapeDtypeStruct((NP, H), _f32),
        )(h, parts, parts, W1, row2(b1), W2, row2(b2), row2(g), row2(be))

    h1 = gin_layer(h0, D0, W1_0, conv0_b1, conv0_W2, conv0_b2, ln0_g, ln0_b)
    h2 = gin_layer(h1, D1, conv1_W1, conv1_b1, conv1_W2, conv1_b2, ln1_g, ln1_b)

    out = pl.pallas_call(
        _pool_body,
        grid=(3, NB),
        in_specs=[
            pl.BlockSpec((RB, H), lambda p, i: (i, 0)),
            pl.BlockSpec((RB, 1), lambda p, i: (i, 0)),
            pl.BlockSpec((H, H), lambda p, i: (0, 0)),
            pl.BlockSpec((1, H), lambda p, i: (0, 0)),
            pl.BlockSpec((H, 1), lambda p, i: (0, 0)),
            pl.BlockSpec((1, 1), lambda p, i: (0, 0)),
            pl.BlockSpec((H, H), lambda p, i: (0, 0)),
            pl.BlockSpec((1, H), lambda p, i: (0, 0)),
            pl.BlockSpec((H, 2), lambda p, i: (0, 0)),
            pl.BlockSpec((1, 2), lambda p, i: (0, 0)),
        ],
        out_specs=pl.BlockSpec((NG, 2), lambda p, i: (0, 0)),
        out_shape=jax.ShapeDtypeStruct((NG, 2), _f32),
        scratch_shapes=[
            pltpu.VMEM((NP, 1), _f32),
            pltpu.VMEM((1, NG), _f32),
            pltpu.VMEM((1, NG), _f32),
            pltpu.VMEM((NG, H), _f32),
        ],
    )(h2, bc, gate_W1, row2(gate_b1), gate_W2, row2(gate_b2),
      cls_W1, row2(cls_b1), cls_W2, row2(cls_b2))
    return out

# --- scband reference (transcript-rebuilt; emitter-appended) ---
"""Pipeline reference for scband-dynamic-gin-embedding-26869315404010 (READ-ONLY COPY).

The authoritative reference and input builder live on the scoring server;
editing this copy changes nothing except your own understanding.
"""

import jax, jax.numpy as jnp
import numpy as np

N = 10000
E = 320000
DF = 128
ED = 16
H = 128
PH = 128
NG = 64
TOTAL_IN = DF - 1 + ED


def setup_inputs(seed: int = 0):
    key = jax.random.key(seed)
    ks = jax.random.split(key, 24)
    inp = {}
    inp["x"] = jax.random.uniform(ks[0], (N, DF), dtype=jnp.float32)
    inp["edge_index"] = jax.random.randint(ks[1], (2, E), 0, N, dtype=jnp.int32)
    inp["batch"] = jnp.sort(jax.random.randint(ks[2], (N,), 0, NG, dtype=jnp.int32))
    inp["emb"] = jax.random.normal(ks[3], (400, ED), dtype=jnp.float32) * 0.05
    inp["conv0_W1"] = jax.random.normal(ks[4], (TOTAL_IN, H), dtype=jnp.float32) * 0.05
    inp["conv0_b1"] = jnp.zeros((H,), jnp.float32)
    inp["conv0_W2"] = jax.random.normal(ks[5], (H, H), dtype=jnp.float32) * 0.05
    inp["conv0_b2"] = jnp.zeros((H,), jnp.float32)
    inp["conv1_W1"] = jax.random.normal(ks[6], (H, H), dtype=jnp.float32) * 0.05
    inp["conv1_b1"] = jnp.zeros((H,), jnp.float32)
    inp["conv1_W2"] = jax.random.normal(ks[7], (H, H), dtype=jnp.float32) * 0.05
    inp["conv1_b2"] = jnp.zeros((H,), jnp.float32)
    inp["ln0_g"] = jnp.ones((H,), jnp.float32)
    inp["ln0_b"] = jnp.zeros((H,), jnp.float32)
    inp["ln1_g"] = jnp.ones((H,), jnp.float32)
    inp["ln1_b"] = jnp.zeros((H,), jnp.float32)
    inp["gate_W1"] = jax.random.normal(ks[8], (H, PH), dtype=jnp.float32) * 0.05
    inp["gate_b1"] = jnp.zeros((PH,), jnp.float32)
    inp["gate_W2"] = jax.random.normal(ks[9], (PH, 1), dtype=jnp.float32) * 0.05
    inp["gate_b2"] = jnp.zeros((1,), jnp.float32)
    inp["cls_W1"] = jax.random.normal(ks[10], (H, PH), dtype=jnp.float32) * 0.05
    inp["cls_b1"] = jnp.zeros((PH,), jnp.float32)
    inp["cls_W2"] = jax.random.normal(ks[11], (PH, 2), dtype=jnp.float32) * 0.05
    inp["cls_b2"] = jnp.zeros((2,), jnp.float32)
    return inp


def _layer_norm(h, g, b, eps=1e-5):
    mu = jnp.mean(h, axis=-1, keepdims=True)
    var = jnp.mean((h - mu) ** 2, axis=-1, keepdims=True)
    return (h - mu) / jnp.sqrt(var + eps) * g + b


def _gin_conv(h, src, dst, W1, b1, W2, b2):
    # GINConv with eps=0: mlp(x + sum_{j->i} x_j); scatter-add of gathered src feats
    agg = jnp.zeros(h.shape, h.dtype).at[dst].add(h[src])
    z = h + agg
    z = jnp.maximum(z @ W1 + b1, 0.0)
    return z @ W2 + b2


def reference(x, edge_index, batch, emb, conv0_W1, conv0_b1, conv0_W2, conv0_b2,
              conv1_W1, conv1_b1, conv1_W2, conv1_b2, ln0_g, ln0_b, ln1_g, ln1_b,
              gate_W1, gate_b1, gate_W2, gate_b2, cls_W1, cls_b1, cls_W2, cls_b2):
    node_types = jax.lax.stop_gradient(x[:, 0]).astype(jnp.int32)
    h = jnp.concatenate([x[:, 1:], jnp.take(emb, node_types, axis=0)], axis=1)
    src = edge_index[0]
    dst = edge_index[1]
    h = _gin_conv(h, src, dst, conv0_W1, conv0_b1, conv0_W2, conv0_b2)
    h = _layer_norm(h, ln0_g, ln0_b)
    h = jnp.maximum(h, 0.0)
    # dropout is identity in eval mode
    h = _gin_conv(h, src, dst, conv1_W1, conv1_b1, conv1_W2, conv1_b2)
    h = _layer_norm(h, ln1_g, ln1_b)
    h = jnp.maximum(h, 0.0)
    # AttentionalAggregation: segment softmax over gate scores, weighted segment sum
    gate = jnp.maximum(h @ gate_W1 + gate_b1, 0.0) @ gate_W2 + gate_b2
    gmax = jax.ops.segment_max(gate, batch, num_segments=NG)
    alpha = jnp.exp(gate - gmax[batch])
    denom = jax.ops.segment_sum(alpha, batch, num_segments=NG)
    alpha = alpha / (denom[batch] + 1e-16)
    pooled = jax.ops.segment_sum(alpha * h, batch, num_segments=NG)
    out = jnp.maximum(pooled @ cls_W1 + cls_b1, 0.0) @ cls_W2 + cls_b2
    return out

if __name__ == "__main__":
    import jax
    _d = setup_inputs()
    print(jax.jit(kernel)(*tuple(_d.values())))

</pallas_src>

<mosaic_0001>
#map = affine_map<(d0, d1) -> (0, 0)>
#map1 = affine_map<(d0, d1) -> (0)>
module attributes {stable_mosaic.version = 14 : i64} {
  func.func @edge_agg(%arg0: i32, %arg1: i32, %arg2: memref<10240x128xf32, #tpu.memory_space<hbm>>, %arg3: memref<323584xi32, #tpu.memory_space<hbm>>, %arg4: memref<323584xi32, #tpu.memory_space<hbm>>, %arg5: memref<128x128xf32, #tpu.memory_space<hbm>>, %arg6: memref<20480x128xf32, #tpu.memory_space<hbm>>, %arg7: memref<128xi32, #tpu.memory_space<vmem>>, %arg8: memref<128xi32, #tpu.memory_space<vmem>>, %arg9: memref<128xi32, #tpu.memory_space<vmem>>, %arg10: memref<128xi32, #tpu.memory_space<vmem>>, %arg11: memref<128x128xf32, #tpu.memory_space<vmem>>, %arg12: memref<128x128xf32, #tpu.memory_space<vmem>>, %arg13: memref<10240x128xf32, #tpu.memory_space<vmem_shared>>, %arg14: memref<!tpu.dma_semaphore, #tpu.memory_space<semaphore_mem>>, %arg15: memref<!tpu.dma_semaphore, #tpu.memory_space<semaphore_mem>>) attributes {dimension_semantics = [#tpu.dimension_semantics<core_parallel>, #tpu.dimension_semantics<subcore_parallel>], iteration_bounds = array<i64: 2, 16>, scalar_prefetch = 0 : i64, scratch_operands = 9 : i64, tpu.core_type = #tpu.core_type<sc_vector_subcore>, window_params = [{transform_indices = #map}, {transform_indices = #map1}, {transform_indices = #map1}, {transform_indices = #map}, {transform_indices = #map}]} {
    %mul3A = arith.constant 2 : i32
    %mul3A_0 = arith.muli %arg1, %mul3A : i32
    %add3A = arith.addi %mul3A_0, %arg0 : i32
    %mul3A_1 = arith.constant 640 : i32
    %mul3A_2 = arith.muli %arg1, %mul3A_1 : i32
    %mul3A_3 = arith.constant 10112 : i32
    %mul3A_4 = arith.muli %add3A, %mul3A_3 : i32
    "tpu.region"() ({
      %run_scoped3A = tpu.sem_alloc : memref<!tpu.dma_semaphore, #tpu.memory_space<semaphore_mem>>
      tpu.enqueue_dma source(%arg5 : memref<128x128xf32, #tpu.memory_space<hbm>>) target(%arg11 : memref<128x128xf32, #tpu.memory_space<vmem>>) target_semaphore(%run_scoped3A : memref<!tpu.dma_semaphore, #tpu.memory_space<semaphore_mem>>)
      tpu.wait_dma2 semaphore(%run_scoped3A : memref<!tpu.dma_semaphore, #tpu.memory_space<semaphore_mem>>) src(%arg5 : memref<128x128xf32, #tpu.memory_space<hbm>>) dst(%arg11 : memref<128x128xf32, #tpu.memory_space<vmem>>)
      tpu.yield
    }) : () -> ()
    %scan3A = arith.constant 0 : i32
    %scan3A_5 = arith.constant 0 : i32
    %scan3A_6 = arith.constant 5 : i32
    %scan3A_7 = arith.addi %scan3A_5, %scan3A_6 : i32
    %scan3A_8 = arith.constant 1 : i32
    scf.for %scan3A_26 = %scan3A_5 to %scan3A_7 step %scan3A_8  : i32 {
      %mul3A_27 = arith.constant 128 : i32
      %mul3A_28 = arith.muli %scan3A_26, %mul3A_27 : i32
      %add3A_29 = arith.addi %mul3A_2, %mul3A_28 : i32
      "tpu.region"() ({
        %run_scoped3A = tpu.sem_alloc : memref<!tpu.dma_semaphore, #tpu.memory_space<semaphore_mem>>
        %dma_start3A_30 = arith.constant 0 : i32
        %dma_start3A_31 = tpu.memref_slice %arg13[%add3A_29, %dma_start3A_30] : memref<10240x128xf32, #tpu.memory_space<vmem_shared>> -> memref<128x128xf32, #tpu.memory_space<vmem_shared>>
        %dma_start3A_32 = arith.constant 0 : i32
        %dma_start3A_33 = tpu.memref_slice %arg13[%add3A_29, %dma_start3A_32] : memref<10240x128xf32, #tpu.memory_space<vmem_shared>> -> memref<128x128xf32, #tpu.memory_space<vmem_shared>>
        tpu.enqueue_dma source(%arg11 : memref<128x128xf32, #tpu.memory_space<vmem>>) target(%dma_start3A_33 : memref<128x128xf32, #tpu.memory_space<vmem_shared>>) target_semaphore(%run_scoped3A : memref<!tpu.dma_semaphore, #tpu.memory_space<semaphore_mem>>)
        %dma_wait3A_34 = arith.constant 0 : i32
        %dma_wait3A_35 = tpu.memref_slice %arg13[%add3A_29, %dma_wait3A_34] : memref<10240x128xf32, #tpu.memory_space<vmem_shared>> -> memref<128x128xf32, #tpu.memory_space<vmem_shared>>
        %dma_wait3A_36 = arith.constant 0 : i32
        %dma_wait3A_37 = tpu.memref_slice %arg13[%add3A_29, %dma_wait3A_36] : memref<10240x128xf32, #tpu.memory_space<vmem_shared>> -> memref<128x128xf32, #tpu.memory_space<vmem_shared>>
        tpu.wait_dma2 semaphore(%run_scoped3A : memref<!tpu.dma_semaphore, #tpu.memory_space<semaphore_mem>>) src(%arg11 : memref<128x128xf32, #tpu.memory_space<vmem>>) dst(%dma_wait3A_37 : memref<128x128xf32, #tpu.memory_space<vmem_shared>>)
        tpu.yield
      }) : () -> ()
    }
    %scan3A_9 = arith.constant 5 : i32
    "tpu.region"() ({
      %run_scoped3A = tpu.sem_alloc : memref<!tpu.dma_semaphore, #tpu.memory_space<semaphore_mem>>
      %dma_start3A_26 = tpu.memref_slice %arg3[%mul3A_4] : memref<323584xi32, #tpu.memory_space<hbm>> -> memref<128xi32, #tpu.memory_space<hbm>>
      %dma_start3A_27 = tpu.memref_slice %arg3[%mul3A_4] : memref<323584xi32, #tpu.memory_space<hbm>> -> memref<128xi32, #tpu.memory_space<hbm>>
      tpu.enqueue_dma source(%dma_start3A_27 : memref<128xi32, #tpu.memory_space<hbm>>) target(%arg7 : memref<128xi32, #tpu.memory_space<vmem>>) target_semaphore(%run_scoped3A : memref<!tpu.dma_semaphore, #tpu.memory_space<semaphore_mem>>)
      %dma_wait3A_28 = tpu.memref_slice %arg3[%mul3A_4] : memref<323584xi32, #tpu.memory_space<hbm>> -> memref<128xi32, #tpu.memory_space<hbm>>
      %dma_wait3A_29 = tpu.memref_slice %arg3[%mul3A_4] : memref<323584xi32, #tpu.memory_space<hbm>> -> memref<128xi32, #tpu.memory_space<hbm>>
      tpu.wait_dma2 semaphore(%run_scoped3A : memref<!tpu.dma_semaphore, #tpu.memory_space<semaphore_mem>>) src(%dma_wait3A_29 : memref<128xi32, #tpu.memory_space<hbm>>) dst(%arg7 : memref<128xi32, #tpu.memory_space<vmem>>)
      tpu.yield
    }) : () -> ()
    %dma_start3A = arith.constant 0 : i32
    %dma_start3A_10 = arith.constant 0 : i32
    %dma_start3A_11 = tpu.memref_slice %arg2[%dma_start3A, %dma_start3A_10] : memref<10240x128xf32, #tpu.memory_space<hbm>> -> memref<10240x128xf32, #tpu.memory_space<hbm>>
    tpu.enqueue_indirect_dma source(%dma_start3A_11 : memref<10240x128xf32, #tpu.memory_space<hbm>>) target(%arg11 : memref<128x128xf32, #tpu.memory_space<vmem>>) offsets(%arg7 : memref<128xi32, #tpu.memory_space<vmem>>) semaphore(%arg14 : memref<!tpu.dma_semaphore, #tpu.memory_space<semaphore_mem>>)
    %barrier3A = arith.constant 0 : index
    tpu.barrier barrier_id(%barrier3A)
    %scan3A_12 = arith.constant 0 : i32
    %scan3A_13 = arith.constant 0 : i32
    %scan3A_14 = arith.constant 39 : i32
    %scan3A_15 = arith.addi %scan3A_13, %scan3A_14 : i32
    %scan3A_16 = arith.constant 1 : i32
    scf.for %scan3A_26 = %scan3A_13 to %scan3A_15 step %scan3A_16  : i32 {
      %mul3A_27 = arith.constant 2 : i32
      %mul3A_28 = arith.muli %mul3A_27, %scan3A_26 : i32
      %add3A_29 = arith.constant 1 : i32
      %add3A_30 = arith.addi %mul3A_28, %add3A_29 : i32
      %add3A_31 = arith.constant 1 : i32
      %add3A_32 = arith.addi %add3A_30, %add3A_31 : i32
      %mul3A_33 = arith.constant 128 : i32
      %mul3A_34 = arith.muli %add3A_30, %mul3A_33 : i32
      %add3A_35 = arith.addi %mul3A_4, %mul3A_34 : i32
      "tpu.region"() ({
        %run_scoped3A = tpu.sem_alloc : memref<!tpu.dma_semaphore, #tpu.memory_space<semaphore_mem>>
        %dma_start3A_54 = tpu.memref_slice %arg3[%add3A_35] : memref<323584xi32, #tpu.memory_space<hbm>> -> memref<128xi32, #tpu.memory_space<hbm>>
        %dma_start3A_55 = tpu.memref_slice %arg3[%add3A_35] : memref<323584xi32, #tpu.memory_space<hbm>> -> memref<128xi32, #tpu.memory_space<hbm>>
        tpu.enqueue_dma source(%dma_start3A_55 : memref<128xi32, #tpu.memory_space<hbm>>) target(%arg8 : memref<128xi32, #tpu.memory_space<vmem>>) target_semaphore(%run_scoped3A : memref<!tpu.dma_semaphore, #tpu.memory_space<semaphore_mem>>)
        %dma_wait3A_56 = tpu.memref_slice %arg3[%add3A_35] : memref<323584xi32, #tpu.memory_space<hbm>> -> memref<128xi32, #tpu.memory_space<hbm>>
        %dma_wait3A_57 = tpu.memref_slice %arg3[%add3A_35] : memref<323584xi32, #tpu.memory_space<hbm>> -> memref<128xi32, #tpu.memory_space<hbm>>
        tpu.wait_dma2 semaphore(%run_scoped3A : memref<!tpu.dma_semaphore, #tpu.memory_space<semaphore_mem>>) src(%dma_wait3A_57 : memref<128xi32, #tpu.memory_space<hbm>>) dst(%arg8 : memref<128xi32, #tpu.memory_space<vmem>>)
        tpu.yield
      }) : () -> ()
      %dma_start3A_36 = arith.constant 0 : i32
      %dma_start3A_37 = arith.constant 0 : i32
      %dma_start3A_38 = tpu.memref_slice %arg2[%dma_start3A_36, %dma_start3A_37] : memref<10240x128xf32, #tpu.memory_space<hbm>> -> memref<10240x128xf32, #tpu.memory_space<hbm>>
      tpu.enqueue_indirect_dma source(%dma_start3A_38 : memref<10240x128xf32, #tpu.memory_space<hbm>>) target(%arg12 : memref<128x128xf32, #tpu.memory_space<vmem>>) offsets(%arg8 : memref<128xi32, #tpu.memory_space<vmem>>) semaphore(%arg15 : memref<!tpu.dma_semaphore, #tpu.memory_space<semaphore_mem>>)
      %sub3A = arith.constant 1 : i32
      %sub3A_39 = arith.subi %add3A_30, %sub3A : i32
      %mul3A_40 = arith.constant 128 : i32
      %mul3A_41 = arith.muli %sub3A_39, %mul3A_40 : i32
      %add3A_42 = arith.addi %mul3A_4, %mul3A_41 : i32
      "tpu.region"() ({
        %run_scoped3A = tpu.sem_alloc : memref<!tpu.dma_semaphore, #tpu.memory_space<semaphore_mem>>
        %dma_start3A_54 = tpu.memref_slice %arg4[%add3A_42] : memref<323584xi32, #tpu.memory_space<hbm>> -> memref<128xi32, #tpu.memory_space<hbm>>
        %dma_start3A_55 = tpu.memref_slice %arg4[%add3A_42] : memref<323584xi32, #tpu.memory_space<hbm>> -> memref<128xi32, #tpu.memory_space<hbm>>
        tpu.enqueue_dma source(%dma_start3A_55 : memref<128xi32, #tpu.memory_space<hbm>>) target(%arg9 : memref<128xi32, #tpu.memory_space<vmem>>) target_semaphore(%run_scoped3A : memref<!tpu.dma_semaphore, #tpu.memory_space<semaphore_mem>>)
        %dma_wait3A_56 = tpu.memref_slice %arg4[%add3A_42] : memref<323584xi32, #tpu.memory_space<hbm>> -> memref<128xi32, #tpu.memory_space<hbm>>
        %dma_wait3A_57 = tpu.memref_slice %arg4[%add3A_42] : memref<323584xi32, #tpu.memory_space<hbm>> -> memref<128xi32, #tpu.memory_space<hbm>>
        tpu.wait_dma2 semaphore(%run_scoped3A : memref<!tpu.dma_semaphore, #tpu.memory_space<semaphore_mem>>) src(%dma_wait3A_57 : memref<128xi32, #tpu.memory_space<hbm>>) dst(%arg9 : memref<128xi32, #tpu.memory_space<vmem>>)
        tpu.yield
      }) : () -> ()
      %dma_wait3A_43 = arith.constant 0 : i32
      %dma_wait3A_44 = arith.constant 0 : i32
      %dma_wait3A_45 = tpu.memref_slice %arg2[%dma_wait3A_43, %dma_wait3A_44] : memref<10240x128xf32, #tpu.memory_space<hbm>> -> memref<10240x128xf32, #tpu.memory_space<hbm>>
      tpu.wait_indirect_dma semaphore(%arg14 : memref<!tpu.dma_semaphore, #tpu.memory_space<semaphore_mem>>) src(%dma_wait3A_45 : memref<10240x128xf32, #tpu.memory_space<hbm>>) dst(%arg11 : memref<128x128xf32, #tpu.memory_space<vmem>>)
      "tpu.region"() ({
        %run_scoped3A = tpu.sem_alloc : memref<!tpu.dma_semaphore, #tpu.memory_space<semaphore_mem>>
        %dma_start3A_54 = arith.constant 0 : i32
        %dma_start3A_55 = arith.constant 0 : i32
        %dma_start3A_56 = tpu.memref_slice %arg13[%dma_start3A_54, %dma_start3A_55] : memref<10240x128xf32, #tpu.memory_space<vmem_shared>> -> memref<10240x128xf32, #tpu.memory_space<vmem_shared>>
        tpu.enqueue_indirect_dma source(%arg11 : memref<128x128xf32, #tpu.memory_space<vmem>>) target(%dma_start3A_56 : memref<10240x128xf32, #tpu.memory_space<vmem_shared>>) offsets(%arg9 : memref<128xi32, #tpu.memory_space<vmem>>) semaphore(%run_scoped3A : memref<!tpu.dma_semaphore, #tpu.memory_space<semaphore_mem>>) {add = true}
        %dma_wait3A_57 = arith.constant 0 : i32
        %dma_wait3A_58 = arith.constant 0 : i32
        %dma_wait3A_59 = tpu.memref_slice %arg13[%dma_wait3A_57, %dma_wait3A_58] : memref<10240x128xf32, #tpu.memory_space<vmem_shared>> -> memref<10240x128xf32, #tpu.memory_space<vmem_shared>>
        tpu.wait_indirect_dma semaphore(%run_scoped3A : memref<!tpu.dma_semaphore, #tpu.memory_space<semaphore_mem>>) src(%arg11 : memref<128x128xf32, #tpu.memory_space<vmem>>) dst(%dma_wait3A_59 : memref<10240x128xf32, #tpu.memory_space<vmem_shared>>)
        tpu.yield
      }) : () -> ()
      %lt3A = arith.constant 79 : i32
      %lt3A_46 = arith.cmpi slt, %add3A_32, %lt3A : i32
      %convert_element_type3A = arith.extui %lt3A_46 : i1 to i32
      %cond3A = arith.constant 0 : i32
      %cond3A_47 = arith.cmpi ne, %convert_element_type3A, %cond3A : i32
      scf.if %cond3A_47 {
        %mul3A_54 = arith.constant 128 : i32
        %mul3A_55 = arith.muli %add3A_32, %mul3A_54 : i32
        %add3A_56 = arith.addi %mul3A_4, %mul3A_55 : i32
        "tpu.region"() ({
          %run_scoped3A = tpu.sem_alloc : memref<!tpu.dma_semaphore, #tpu.memory_space<semaphore_mem>>
          %dma_start3A_60 = tpu.memref_slice %arg3[%add3A_56] : memref<323584xi32, #tpu.memory_space<hbm>> -> memref<128xi32, #tpu.memory_space<hbm>>
          %dma_start3A_61 = tpu.memref_slice %arg3[%add3A_56] : memref<323584xi32, #tpu.memory_space<hbm>> -> memref<128xi32, #tpu.memory_space<hbm>>
          tpu.enqueue_dma source(%dma_start3A_61 : memref<128xi32, #tpu.memory_space<hbm>>) target(%arg7 : memref<128xi32, #tpu.memory_space<vmem>>) target_semaphore(%run_scoped3A : memref<!tpu.dma_semaphore, #tpu.memory_space<semaphore_mem>>)
          %dma_wait3A_62 = tpu.memref_slice %arg3[%add3A_56] : memref<323584xi32, #tpu.memory_space<hbm>> -> memref<128xi32, #tpu.memory_space<hbm>>
          %dma_wait3A_63 = tpu.memref_slice %arg3[%add3A_56] : memref<323584xi32, #tpu.memory_space<hbm>> -> memref<128xi32, #tpu.memory_space<hbm>>
          tpu.wait_dma2 semaphore(%run_scoped3A : memref<!tpu.dma_semaphore, #tpu.memory_space<semaphore_mem>>) src(%dma_wait3A_63 : memref<128xi32, #tpu.memory_space<hbm>>) dst(%arg7 : memref<128xi32, #tpu.memory_space<vmem>>)
          tpu.yield
        }) : () -> ()
        %dma_start3A_57 = arith.constant 0 : i32
        %dma_start3A_58 = arith.constant 0 : i32
        %dma_start3A_59 = tpu.memref_slice %arg2[%dma_start3A_57, %dma_start3A_58] : memref<10240x128xf32, #tpu.memory_space<hbm>> -> memref<10240x128xf32, #tpu.memory_space<hbm>>
        tpu.enqueue_indirect_dma source(%dma_start3A_59 : memref<10240x128xf32, #tpu.memory_space<hbm>>) target(%arg11 : memref<128x128xf32, #tpu.memory_space<vmem>>) offsets(%arg7 : memref<128xi32, #tpu.memory_space<vmem>>) semaphore(%arg14 : memref<!tpu.dma_semaphore, #tpu.memory_space<semaphore_mem>>)
      } else {
      }
      %mul3A_48 = arith.constant 128 : i32
      %mul3A_49 = arith.muli %add3A_30, %mul3A_48 : i32
      %add3A_50 = arith.addi %mul3A_4, %mul3A_49 : i32
      "tpu.region"() ({
        %run_scoped3A = tpu.sem_alloc : memref<!tpu.dma_semaphore, #tpu.memory_space<semaphore_mem>>
        %dma_start3A_54 = tpu.memref_slice %arg4[%add3A_50] : memref<323584xi32, #tpu.memory_space<hbm>> -> memref<128xi32, #tpu.memory_space<hbm>>
        %dma_start3A_55 = tpu.memref_slice %arg4[%add3A_50] : memref<323584xi32, #tpu.memory_space<hbm>> -> memref<128xi32, #tpu.memory_space<hbm>>
        tpu.enqueue_dma source(%dma_start3A_55 : memref<128xi32, #tpu.memory_space<hbm>>) target(%arg10 : memref<128xi32, #tpu.memory_space<vmem>>) target_semaphore(%run_scoped3A : memref<!tpu.dma_semaphore, #tpu.memory_space<semaphore_mem>>)
        %dma_wait3A_56 = tpu.memref_slice %arg4[%add3A_50] : memref<323584xi32, #tpu.memory_space<hbm>> -> memref<128xi32, #tpu.memory_space<hbm>>
        %dma_wait3A_57 = tpu.memref_slice %arg4[%add3A_50] : memref<323584xi32, #tpu.memory_space<hbm>> -> memref<128xi32, #tpu.memory_space<hbm>>
        tpu.wait_dma2 semaphore(%run_scoped3A : memref<!tpu.dma_semaphore, #tpu.memory_space<semaphore_mem>>) src(%dma_wait3A_57 : memref<128xi32, #tpu.memory_space<hbm>>) dst(%arg10 : memref<128xi32, #tpu.memory_space<vmem>>)
        tpu.yield
      }) : () -> ()
      %dma_wait3A_51 = arith.constant 0 : i32
      %dma_wait3A_52 = arith.constant 0 : i32
      %dma_wait3A_53 = tpu.memref_slice %arg2[%dma_wait3A_51, %dma_wait3A_52] : memref<10240x128xf32, #tpu.memory_space<hbm>> -> memref<10240x128xf32, #tpu.memory_space<hbm>>
      tpu.wait_indirect_dma semaphore(%arg15 : memref<!tpu.dma_semaphore, #tpu.memory_space<semaphore_mem>>) src(%dma_wait3A_53 : memref<10240x128xf32, #tpu.memory_space<hbm>>) dst(%arg12 : memref<128x128xf32, #tpu.memory_space<vmem>>)
      "tpu.region"() ({
        %run_scoped3A = tpu.sem_alloc : memref<!tpu.dma_semaphore, #tpu.memory_space<semaphore_mem>>
        %dma_start3A_54 = arith.constant 0 : i32
        %dma_start3A_55 = arith.constant 0 : i32
        %dma_start3A_56 = tpu.memref_slice %arg13[%dma_start3A_54, %dma_start3A_55] : memref<10240x128xf32, #tpu.memory_space<vmem_shared>> -> memref<10240x128xf32, #tpu.memory_space<vmem_shared>>
        tpu.enqueue_indirect_dma source(%arg12 : memref<128x128xf32, #tpu.memory_space<vmem>>) target(%dma_start3A_56 : memref<10240x128xf32, #tpu.memory_space<vmem_shared>>) offsets(%arg10 : memref<128xi32, #tpu.memory_space<vmem>>) semaphore(%run_scoped3A : memref<!tpu.dma_semaphore, #tpu.memory_space<semaphore_mem>>) {add = true}
        %dma_wait3A_57 = arith.constant 0 : i32
        %dma_wait3A_58 = arith.constant 0 : i32
        %dma_wait3A_59 = tpu.memref_slice %arg13[%dma_wait3A_57, %dma_wait3A_58] : memref<10240x128xf32, #tpu.memory_space<vmem_shared>> -> memref<10240x128xf32, #tpu.memory_space<vmem_shared>>
        tpu.wait_indirect_dma semaphore(%run_scoped3A : memref<!tpu.dma_semaphore, #tpu.memory_space<semaphore_mem>>) src(%arg12 : memref<128x128xf32, #tpu.memory_space<vmem>>) dst(%dma_wait3A_59 : memref<10240x128xf32, #tpu.memory_space<vmem_shared>>)
        tpu.yield
      }) : () -> ()
    }
    %scan3A_17 = arith.constant 39 : i32
    %add3A_18 = arith.constant 9984 : i32
    %add3A_19 = arith.addi %mul3A_4, %add3A_18 : i32
    "tpu.region"() ({
      %run_scoped3A = tpu.sem_alloc : memref<!tpu.dma_semaphore, #tpu.memory_space<semaphore_mem>>
      %dma_start3A_26 = tpu.memref_slice %arg4[%add3A_19] : memref<323584xi32, #tpu.memory_space<hbm>> -> memref<128xi32, #tpu.memory_space<hbm>>
      %dma_start3A_27 = tpu.memref_slice %arg4[%add3A_19] : memref<323584xi32, #tpu.memory_space<hbm>> -> memref<128xi32, #tpu.memory_space<hbm>>
      tpu.enqueue_dma source(%dma_start3A_27 : memref<128xi32, #tpu.memory_space<hbm>>) target(%arg9 : memref<128xi32, #tpu.memory_space<vmem>>) target_semaphore(%run_scoped3A : memref<!tpu.dma_semaphore, #tpu.memory_space<semaphore_mem>>)
      %dma_wait3A_28 = tpu.memref_slice %arg4[%add3A_19] : memref<323584xi32, #tpu.memory_space<hbm>> -> memref<128xi32, #tpu.memory_space<hbm>>
      %dma_wait3A_29 = tpu.memref_slice %arg4[%add3A_19] : memref<323584xi32, #tpu.memory_space<hbm>> -> memref<128xi32, #tpu.memory_space<hbm>>
      tpu.wait_dma2 semaphore(%run_scoped3A : memref<!tpu.dma_semaphore, #tpu.memory_space<semaphore_mem>>) src(%dma_wait3A_29 : memref<128xi32, #tpu.memory_space<hbm>>) dst(%arg9 : memref<128xi32, #tpu.memory_space<vmem>>)
      tpu.yield
    }) : () -> ()
    %dma_wait3A = arith.constant 0 : i32
    %dma_wait3A_20 = arith.constant 0 : i32
    %dma_wait3A_21 = tpu.memref_slice %arg2[%dma_wait3A, %dma_wait3A_20] : memref<10240x128xf32, #tpu.memory_space<hbm>> -> memref<10240x128xf32, #tpu.memory_space<hbm>>
    tpu.wait_indirect_dma semaphore(%arg14 : memref<!tpu.dma_semaphore, #tpu.memory_space<semaphore_mem>>) src(%dma_wait3A_21 : memref<10240x128xf32, #tpu.memory_space<hbm>>) dst(%arg11 : memref<128x128xf32, #tpu.memory_space<vmem>>)
    "tpu.region"() ({
      %run_scoped3A = tpu.sem_alloc : memref<!tpu.dma_semaphore, #tpu.memory_space<semaphore_mem>>
      %dma_start3A_26 = arith.constant 0 : i32
      %dma_start3A_27 = arith.constant 0 : i32
      %dma_start3A_28 = tpu.memref_slice %arg13[%dma_start3A_26, %dma_start3A_27] : memref<10240x128xf32, #tpu.memory_space<vmem_shared>> -> memref<10240x128xf32, #tpu.memory_space<vmem_shared>>
      tpu.enqueue_indirect_dma source(%arg11 : memref<128x128xf32, #tpu.memory_space<vmem>>) target(%dma_start3A_28 : memref<10240x128xf32, #tpu.memory_space<vmem_shared>>) offsets(%arg9 : memref<128xi32, #tpu.memory_space<vmem>>) semaphore(%run_scoped3A : memref<!tpu.dma_semaphore, #tpu.memory_space<semaphore_mem>>) {add = true}
      %dma_wait3A_29 = arith.constant 0 : i32
      %dma_wait3A_30 = arith.constant 0 : i32
      %dma_wait3A_31 = tpu.memref_slice %arg13[%dma_wait3A_29, %dma_wait3A_30] : memref<10240x128xf32, #tpu.memory_space<vmem_shared>> -> memref<10240x128xf32, #tpu.memory_space<vmem_shared>>
      tpu.wait_indirect_dma semaphore(%run_scoped3A : memref<!tpu.dma_semaphore, #tpu.memory_space<semaphore_mem>>) src(%arg11 : memref<128x128xf32, #tpu.memory_space<vmem>>) dst(%dma_wait3A_31 : memref<10240x128xf32, #tpu.memory_space<vmem_shared>>)
      tpu.yield
    }) : () -> ()
    %barrier3A_22 = arith.constant 0 : index
    tpu.barrier barrier_id(%barrier3A_22)
    %mul3A_23 = arith.constant 10240 : i32
    %mul3A_24 = arith.muli %arg0, %mul3A_23 : i32
    %add3A_25 = arith.addi %mul3A_24, %mul3A_2 : i32
    "tpu.region"() ({
      %run_scoped3A = tpu.sem_alloc : memref<!tpu.dma_semaphore, #tpu.memory_space<semaphore_mem>>
      %dma_start3A_26 = arith.constant 0 : i32
      %dma_start3A_27 = tpu.memref_slice %arg6[%add3A_25, %dma_start3A_26] : memref<20480x128xf32, #tpu.memory_space<hbm>> -> memref<640x128xf32, #tpu.memory_space<hbm>>
      %dma_start3A_28 = arith.constant 0 : i32
      %dma_start3A_29 = tpu.memref_slice %arg13[%mul3A_2, %dma_start3A_28] : memref<10240x128xf32, #tpu.memory_space<vmem_shared>> -> memref<640x128xf32, #tpu.memory_space<vmem_shared>>
      tpu.enqueue_dma source(%dma_start3A_29 : memref<640x128xf32, #tpu.memory_space<vmem_shared>>) target(%dma_start3A_27 : memref<640x128xf32, #tpu.memory_space<hbm>>) target_semaphore(%run_scoped3A : memref<!tpu.dma_semaphore, #tpu.memory_space<semaphore_mem>>)
      %dma_wait3A_30 = arith.constant 0 : i32
      %dma_wait3A_31 = tpu.memref_slice %arg6[%add3A_25, %dma_wait3A_30] : memref<20480x128xf32, #tpu.memory_space<hbm>> -> memref<640x128xf32, #tpu.memory_space<hbm>>
      %dma_wait3A_32 = arith.constant 0 : i32
      %dma_wait3A_33 = tpu.memref_slice %arg13[%mul3A_2, %dma_wait3A_32] : memref<10240x128xf32, #tpu.memory_space<vmem_shared>> -> memref<640x128xf32, #tpu.memory_space<vmem_shared>>
      tpu.wait_dma2 semaphore(%run_scoped3A : memref<!tpu.dma_semaphore, #tpu.memory_space<semaphore_mem>>) src(%dma_wait3A_33 : memref<640x128xf32, #tpu.memory_space<vmem_shared>>) dst(%dma_wait3A_31 : memref<640x128xf32, #tpu.memory_space<hbm>>)
      tpu.yield
    }) : () -> ()
    return
  }
}

#map = affine_map<(d0, d1) -> (0, 0)>
#map1 = affine_map<(d0, d1) -> (0)>
module attributes {stable_mosaic.version = 14 : i64} {
  func.func @edge_agg(%arg0: i32, %arg1: i32, %arg2: memref<10240x144xf32, #tpu.memory_space<hbm>>, %arg3: memref<323584xi32, #tpu.memory_space<hbm>>, %arg4: memref<323584xi32, #tpu.memory_space<hbm>>, %arg5: memref<128x144xf32, #tpu.memory_space<hbm>>, %arg6: memref<20480x144xf32, #tpu.memory_space<hbm>>, %arg7: memref<128xi32, #tpu.memory_space<vmem>>, %arg8: memref<128xi32, #tpu.memory_space<vmem>>, %arg9: memref<128xi32, #tpu.memory_space<vmem>>, %arg10: memref<128xi32, #tpu.memory_space<vmem>>, %arg11: memref<128x144xf32, #tpu.memory_space<vmem>>, %arg12: memref<128x144xf32, #tpu.memory_space<vmem>>, %arg13: memref<10240x144xf32, #tpu.memory_space<vmem_shared>>, %arg14: memref<!tpu.dma_semaphore, #tpu.memory_space<semaphore_mem>>, %arg15: memref<!tpu.dma_semaphore, #tpu.memory_space<semaphore_mem>>) attributes {dimension_semantics = [#tpu.dimension_semantics<core_parallel>, #tpu.dimension_semantics<subcore_parallel>], iteration_bounds = array<i64: 2, 16>, scalar_prefetch = 0 : i64, scratch_operands = 9 : i64, tpu.core_type = #tpu.core_type<sc_vector_subcore>, window_params = [{transform_indices = #map}, {transform_indices = #map1}, {transform_indices = #map1}, {transform_indices = #map}, {transform_indices = #map}]} {
    %mul3A = arith.constant 2 : i32
    %mul3A_0 = arith.muli %arg1, %mul3A : i32
    %add3A = arith.addi %mul3A_0, %arg0 : i32
    %mul3A_1 = arith.constant 640 : i32
    %mul3A_2 = arith.muli %arg1, %mul3A_1 : i32
    %mul3A_3 = arith.constant 10112 : i32
    %mul3A_4 = arith.muli %add3A, %mul3A_3 : i32
    "tpu.region"() ({
      %run_scoped3A = tpu.sem_alloc : memref<!tpu.dma_semaphore, #tpu.memory_space<semaphore_mem>>
      tpu.enqueue_dma source(%arg5 : memref<128x144xf32, #tpu.memory_space<hbm>>) target(%arg11 : memref<128x144xf32, #tpu.memory_space<vmem>>) target_semaphore(%run_scoped3A : memref<!tpu.dma_semaphore, #tpu.memory_space<semaphore_mem>>)
      tpu.wait_dma2 semaphore(%run_scoped3A : memref<!tpu.dma_semaphore, #tpu.memory_space<semaphore_mem>>) src(%arg5 : memref<128x144xf32, #tpu.memory_space<hbm>>) dst(%arg11 : memref<128x144xf32, #tpu.memory_space<vmem>>)
      tpu.yield
    }) : () -> ()
    %scan3A = arith.constant 0 : i32
    %scan3A_5 = arith.constant 0 : i32
    %scan3A_6 = arith.constant 5 : i32
    %scan3A_7 = arith.addi %scan3A_5, %scan3A_6 : i32
    %scan3A_8 = arith.constant 1 : i32
    scf.for %scan3A_26 = %scan3A_5 to %scan3A_7 step %scan3A_8  : i32 {
      %mul3A_27 = arith.constant 128 : i32
      %mul3A_28 = arith.muli %scan3A_26, %mul3A_27 : i32
      %add3A_29 = arith.addi %mul3A_2, %mul3A_28 : i32
      "tpu.region"() ({
        %run_scoped3A = tpu.sem_alloc : memref<!tpu.dma_semaphore, #tpu.memory_space<semaphore_mem>>
        %dma_start3A_30 = arith.constant 0 : i32
        %dma_start3A_31 = tpu.memref_slice %arg13[%add3A_29, %dma_start3A_30] : memref<10240x144xf32, #tpu.memory_space<vmem_shared>> -> memref<128x144xf32, #tpu.memory_space<vmem_shared>>
        %dma_start3A_32 = arith.constant 0 : i32
        %dma_start3A_33 = tpu.memref_slice %arg13[%add3A_29, %dma_start3A_32] : memref<10240x144xf32, #tpu.memory_space<vmem_shared>> -> memref<128x144xf32, #tpu.memory_space<vmem_shared>>
        tpu.enqueue_dma source(%arg11 : memref<128x144xf32, #tpu.memory_space<vmem>>) target(%dma_start3A_33 : memref<128x144xf32, #tpu.memory_space<vmem_shared>>) target_semaphore(%run_scoped3A : memref<!tpu.dma_semaphore, #tpu.memory_space<semaphore_mem>>)
        %dma_wait3A_34 = arith.constant 0 : i32
        %dma_wait3A_35 = tpu.memref_slice %arg13[%add3A_29, %dma_wait3A_34] : memref<10240x144xf32, #tpu.memory_space<vmem_shared>> -> memref<128x144xf32, #tpu.memory_space<vmem_shared>>
        %dma_wait3A_36 = arith.constant 0 : i32
        %dma_wait3A_37 = tpu.memref_slice %arg13[%add3A_29, %dma_wait3A_36] : memref<10240x144xf32, #tpu.memory_space<vmem_shared>> -> memref<128x144xf32, #tpu.memory_space<vmem_shared>>
        tpu.wait_dma2 semaphore(%run_scoped3A : memref<!tpu.dma_semaphore, #tpu.memory_space<semaphore_mem>>) src(%arg11 : memref<128x144xf32, #tpu.memory_space<vmem>>) dst(%dma_wait3A_37 : memref<128x144xf32, #tpu.memory_space<vmem_shared>>)
        tpu.yield
      }) : () -> ()
    }
    %scan3A_9 = arith.constant 5 : i32
    "tpu.region"() ({
      %run_scoped3A = tpu.sem_alloc : memref<!tpu.dma_semaphore, #tpu.memory_space<semaphore_mem>>
      %dma_start3A_26 = tpu.memref_slice %arg3[%mul3A_4] : memref<323584xi32, #tpu.memory_space<hbm>> -> memref<128xi32, #tpu.memory_space<hbm>>
      %dma_start3A_27 = tpu.memref_slice %arg3[%mul3A_4] : memref<323584xi32, #tpu.memory_space<hbm>> -> memref<128xi32, #tpu.memory_space<hbm>>
      tpu.enqueue_dma source(%dma_start3A_27 : memref<128xi32, #tpu.memory_space<hbm>>) target(%arg7 : memref<128xi32, #tpu.memory_space<vmem>>) target_semaphore(%run_scoped3A : memref<!tpu.dma_semaphore, #tpu.memory_space<semaphore_mem>>)
      %dma_wait3A_28 = tpu.memref_slice %arg3[%mul3A_4] : memref<323584xi32, #tpu.memory_space<hbm>> -> memref<128xi32, #tpu.memory_space<hbm>>
      %dma_wait3A_29 = tpu.memref_slice %arg3[%mul3A_4] : memref<323584xi32, #tpu.memory_space<hbm>> -> memref<128xi32, #tpu.memory_space<hbm>>
      tpu.wait_dma2 semaphore(%run_scoped3A : memref<!tpu.dma_semaphore, #tpu.memory_space<semaphore_mem>>) src(%dma_wait3A_29 : memref<128xi32, #tpu.memory_space<hbm>>) dst(%arg7 : memref<128xi32, #tpu.memory_space<vmem>>)
      tpu.yield
    }) : () -> ()
    %dma_start3A = arith.constant 0 : i32
    %dma_start3A_10 = arith.constant 0 : i32
    %dma_start3A_11 = tpu.memref_slice %arg2[%dma_start3A, %dma_start3A_10] : memref<10240x144xf32, #tpu.memory_space<hbm>> -> memref<10240x144xf32, #tpu.memory_space<hbm>>
    tpu.enqueue_indirect_dma source(%dma_start3A_11 : memref<10240x144xf32, #tpu.memory_space<hbm>>) target(%arg11 : memref<128x144xf32, #tpu.memory_space<vmem>>) offsets(%arg7 : memref<128xi32, #tpu.memory_space<vmem>>) semaphore(%arg14 : memref<!tpu.dma_semaphore, #tpu.memory_space<semaphore_mem>>)
    %barrier3A = arith.constant 0 : index
    tpu.barrier barrier_id(%barrier3A)
    %scan3A_12 = arith.constant 0 : i32
    %scan3A_13 = arith.constant 0 : i32
    %scan3A_14 = arith.constant 39 : i32
    %scan3A_15 = arith.addi %scan3A_13, %scan3A_14 : i32
    %scan3A_16 = arith.constant 1 : i32
    scf.for %scan3A_26 = %scan3A_13 to %scan3A_15 step %scan3A_16  : i32 {
      %mul3A_27 = arith.constant 2 : i32
      %mul3A_28 = arith.muli %mul3A_27, %scan3A_26 : i32
      %add3A_29 = arith.constant 1 : i32
      %add3A_30 = arith.addi %mul3A_28, %add3A_29 : i32
      %add3A_31 = arith.constant 1 : i32
      %add3A_32 = arith.addi %add3A_30, %add3A_31 : i32
      %mul3A_33 = arith.constant 128 : i32
      %mul3A_34 = arith.muli %add3A_30, %mul3A_33 : i32
      %add3A_35 = arith.addi %mul3A_4, %mul3A_34 : i32
      "tpu.region"() ({
        %run_scoped3A = tpu.sem_alloc : memref<!tpu.dma_semaphore, #tpu.memory_space<semaphore_mem>>
        %dma_start3A_54 = tpu.memref_slice %arg3[%add3A_35] : memref<323584xi32, #tpu.memory_space<hbm>> -> memref<128xi32, #tpu.memory_space<hbm>>
        %dma_start3A_55 = tpu.memref_slice %arg3[%add3A_35] : memref<323584xi32, #tpu.memory_space<hbm>> -> memref<128xi32, #tpu.memory_space<hbm>>
        tpu.enqueue_dma source(%dma_start3A_55 : memref<128xi32, #tpu.memory_space<hbm>>) target(%arg8 : memref<128xi32, #tpu.memory_space<vmem>>) target_semaphore(%run_scoped3A : memref<!tpu.dma_semaphore, #tpu.memory_space<semaphore_mem>>)
        %dma_wait3A_56 = tpu.memref_slice %arg3[%add3A_35] : memref<323584xi32, #tpu.memory_space<hbm>> -> memref<128xi32, #tpu.memory_space<hbm>>
        %dma_wait3A_57 = tpu.memref_slice %arg3[%add3A_35] : memref<323584xi32, #tpu.memory_space<hbm>> -> memref<128xi32, #tpu.memory_space<hbm>>
        tpu.wait_dma2 semaphore(%run_scoped3A : memref<!tpu.dma_semaphore, #tpu.memory_space<semaphore_mem>>) src(%dma_wait3A_57 : memref<128xi32, #tpu.memory_space<hbm>>) dst(%arg8 : memref<128xi32, #tpu.memory_space<vmem>>)
        tpu.yield
      }) : () -> ()
      %dma_start3A_36 = arith.constant 0 : i32
      %dma_start3A_37 = arith.constant 0 : i32
      %dma_start3A_38 = tpu.memref_slice %arg2[%dma_start3A_36, %dma_start3A_37] : memref<10240x144xf32, #tpu.memory_space<hbm>> -> memref<10240x144xf32, #tpu.memory_space<hbm>>
      tpu.enqueue_indirect_dma source(%dma_start3A_38 : memref<10240x144xf32, #tpu.memory_space<hbm>>) target(%arg12 : memref<128x144xf32, #tpu.memory_space<vmem>>) offsets(%arg8 : memref<128xi32, #tpu.memory_space<vmem>>) semaphore(%arg15 : memref<!tpu.dma_semaphore, #tpu.memory_space<semaphore_mem>>)
      %sub3A = arith.constant 1 : i32
      %sub3A_39 = arith.subi %add3A_30, %sub3A : i32
      %mul3A_40 = arith.constant 128 : i32
      %mul3A_41 = arith.muli %sub3A_39, %mul3A_40 : i32
      %add3A_42 = arith.addi %mul3A_4, %mul3A_41 : i32
      "tpu.region"() ({
        %run_scoped3A = tpu.sem_alloc : memref<!tpu.dma_semaphore, #tpu.memory_space<semaphore_mem>>
        %dma_start3A_54 = tpu.memref_slice %arg4[%add3A_42] : memref<323584xi32, #tpu.memory_space<hbm>> -> memref<128xi32, #tpu.memory_space<hbm>>
        %dma_start3A_55 = tpu.memref_slice %arg4[%add3A_42] : memref<323584xi32, #tpu.memory_space<hbm>> -> memref<128xi32, #tpu.memory_space<hbm>>
        tpu.enqueue_dma source(%dma_start3A_55 : memref<128xi32, #tpu.memory_space<hbm>>) target(%arg9 : memref<128xi32, #tpu.memory_space<vmem>>) target_semaphore(%run_scoped3A : memref<!tpu.dma_semaphore, #tpu.memory_space<semaphore_mem>>)
        %dma_wait3A_56 = tpu.memref_slice %arg4[%add3A_42] : memref<323584xi32, #tpu.memory_space<hbm>> -> memref<128xi32, #tpu.memory_space<hbm>>
        %dma_wait3A_57 = tpu.memref_slice %arg4[%add3A_42] : memref<323584xi32, #tpu.memory_space<hbm>> -> memref<128xi32, #tpu.memory_space<hbm>>
        tpu.wait_dma2 semaphore(%run_scoped3A : memref<!tpu.dma_semaphore, #tpu.memory_space<semaphore_mem>>) src(%dma_wait3A_57 : memref<128xi32, #tpu.memory_space<hbm>>) dst(%arg9 : memref<128xi32, #tpu.memory_space<vmem>>)
        tpu.yield
      }) : () -> ()
      %dma_wait3A_43 = arith.constant 0 : i32
      %dma_wait3A_44 = arith.constant 0 : i32
      %dma_wait3A_45 = tpu.memref_slice %arg2[%dma_wait3A_43, %dma_wait3A_44] : memref<10240x144xf32, #tpu.memory_space<hbm>> -> memref<10240x144xf32, #tpu.memory_space<hbm>>
      tpu.wait_indirect_dma semaphore(%arg14 : memref<!tpu.dma_semaphore, #tpu.memory_space<semaphore_mem>>) src(%dma_wait3A_45 : memref<10240x144xf32, #tpu.memory_space<hbm>>) dst(%arg11 : memref<128x144xf32, #tpu.memory_space<vmem>>)
      "tpu.region"() ({
        %run_scoped3A = tpu.sem_alloc : memref<!tpu.dma_semaphore, #tpu.memory_space<semaphore_mem>>
        %dma_start3A_54 = arith.constant 0 : i32
        %dma_start3A_55 = arith.constant 0 : i32
        %dma_start3A_56 = tpu.memref_slice %arg13[%dma_start3A_54, %dma_start3A_55] : memref<10240x144xf32, #tpu.memory_space<vmem_shared>> -> memref<10240x144xf32, #tpu.memory_space<vmem_shared>>
        tpu.enqueue_indirect_dma source(%arg11 : memref<128x144xf32, #tpu.memory_space<vmem>>) target(%dma_start3A_56 : memref<10240x144xf32, #tpu.memory_space<vmem_shared>>) offsets(%arg9 : memref<128xi32, #tpu.memory_space<vmem>>) semaphore(%run_scoped3A : memref<!tpu.dma_semaphore, #tpu.memory_space<semaphore_mem>>) {add = true}
        %dma_wait3A_57 = arith.constant 0 : i32
        %dma_wait3A_58 = arith.constant 0 : i32
        %dma_wait3A_59 = tpu.memref_slice %arg13[%dma_wait3A_57, %dma_wait3A_58] : memref<10240x144xf32, #tpu.memory_space<vmem_shared>> -> memref<10240x144xf32, #tpu.memory_space<vmem_shared>>
        tpu.wait_indirect_dma semaphore(%run_scoped3A : memref<!tpu.dma_semaphore, #tpu.memory_space<semaphore_mem>>) src(%arg11 : memref<128x144xf32, #tpu.memory_space<vmem>>) dst(%dma_wait3A_59 : memref<10240x144xf32, #tpu.memory_space<vmem_shared>>)
        tpu.yield
      }) : () -> ()
      %lt3A = arith.constant 79 : i32
      %lt3A_46 = arith.cmpi slt, %add3A_32, %lt3A : i32
      %convert_element_type3A = arith.extui %lt3A_46 : i1 to i32
      %cond3A = arith.constant 0 : i32
      %cond3A_47 = arith.cmpi ne, %convert_element_type3A, %cond3A : i32
      scf.if %cond3A_47 {
        %mul3A_54 = arith.constant 128 : i32
        %mul3A_55 = arith.muli %add3A_32, %mul3A_54 : i32
        %add3A_56 = arith.addi %mul3A_4, %mul3A_55 : i32
        "tpu.region"() ({
          %run_scoped3A = tpu.sem_alloc : memref<!tpu.dma_semaphore, #tpu.memory_space<semaphore_mem>>
          %dma_start3A_60 = tpu.memref_slice %arg3[%add3A_56] : memref<323584xi32, #tpu.memory_space<hbm>> -> memref<128xi32, #tpu.memory_space<hbm>>
          %dma_start3A_61 = tpu.memref_slice %arg3[%add3A_56] : memref<323584xi32, #tpu.memory_space<hbm>> -> memref<128xi32, #tpu.memory_space<hbm>>
          tpu.enqueue_dma source(%dma_start3A_61 : memref<128xi32, #tpu.memory_space<hbm>>) target(%arg7 : memref<128xi32, #tpu.memory_space<vmem>>) target_semaphore(%run_scoped3A : memref<!tpu.dma_semaphore, #tpu.memory_space<semaphore_mem>>)
          %dma_wait3A_62 = tpu.memref_slice %arg3[%add3A_56] : memref<323584xi32, #tpu.memory_space<hbm>> -> memref<128xi32, #tpu.memory_space<hbm>>
          %dma_wait3A_63 = tpu.memref_slice %arg3[%add3A_56] : memref<323584xi32, #tpu.memory_space<hbm>> -> memref<128xi32, #tpu.memory_space<hbm>>
          tpu.wait_dma2 semaphore(%run_scoped3A : memref<!tpu.dma_semaphore, #tpu.memory_space<semaphore_mem>>) src(%dma_wait3A_63 : memref<128xi32, #tpu.memory_space<hbm>>) dst(%arg7 : memref<128xi32, #tpu.memory_space<vmem>>)
          tpu.yield
        }) : () -> ()
        %dma_start3A_57 = arith.constant 0 : i32
        %dma_start3A_58 = arith.constant 0 : i32
        %dma_start3A_59 = tpu.memref_slice %arg2[%dma_start3A_57, %dma_start3A_58] : memref<10240x144xf32, #tpu.memory_space<hbm>> -> memref<10240x144xf32, #tpu.memory_space<hbm>>
        tpu.enqueue_indirect_dma source(%dma_start3A_59 : memref<10240x144xf32, #tpu.memory_space<hbm>>) target(%arg11 : memref<128x144xf32, #tpu.memory_space<vmem>>) offsets(%arg7 : memref<128xi32, #tpu.memory_space<vmem>>) semaphore(%arg14 : memref<!tpu.dma_semaphore, #tpu.memory_space<semaphore_mem>>)
      } else {
      }
      %mul3A_48 = arith.constant 128 : i32
      %mul3A_49 = arith.muli %add3A_30, %mul3A_48 : i32
      %add3A_50 = arith.addi %mul3A_4, %mul3A_49 : i32
      "tpu.region"() ({
        %run_scoped3A = tpu.sem_alloc : memref<!tpu.dma_semaphore, #tpu.memory_space<semaphore_mem>>
        %dma_start3A_54 = tpu.memref_slice %arg4[%add3A_50] : memref<323584xi32, #tpu.memory_space<hbm>> -> memref<128xi32, #tpu.memory_space<hbm>>
        %dma_start3A_55 = tpu.memref_slice %arg4[%add3A_50] : memref<323584xi32, #tpu.memory_space<hbm>> -> memref<128xi32, #tpu.memory_space<hbm>>
        tpu.enqueue_dma source(%dma_start3A_55 : memref<128xi32, #tpu.memory_space<hbm>>) target(%arg10 : memref<128xi32, #tpu.memory_space<vmem>>) target_semaphore(%run_scoped3A : memref<!tpu.dma_semaphore, #tpu.memory_space<semaphore_mem>>)
        %dma_wait3A_56 = tpu.memref_slice %arg4[%add3A_50] : memref<323584xi32, #tpu.memory_space<hbm>> -> memref<128xi32, #tpu.memory_space<hbm>>
        %dma_wait3A_57 = tpu.memref_slice %arg4[%add3A_50] : memref<323584xi32, #tpu.memory_space<hbm>> -> memref<128xi32, #tpu.memory_space<hbm>>
        tpu.wait_dma2 semaphore(%run_scoped3A : memref<!tpu.dma_semaphore, #tpu.memory_space<semaphore_mem>>) src(%dma_wait3A_57 : memref<128xi32, #tpu.memory_space<hbm>>) dst(%arg10 : memref<128xi32, #tpu.memory_space<vmem>>)
        tpu.yield
      }) : () -> ()
      %dma_wait3A_51 = arith.constant 0 : i32
      %dma_wait3A_52 = arith.constant 0 : i32
      %dma_wait3A_53 = tpu.memref_slice %arg2[%dma_wait3A_51, %dma_wait3A_52] : memref<10240x144xf32, #tpu.memory_space<hbm>> -> memref<10240x144xf32, #tpu.memory_space<hbm>>
      tpu.wait_indirect_dma semaphore(%arg15 : memref<!tpu.dma_semaphore, #tpu.memory_space<semaphore_mem>>) src(%dma_wait3A_53 : memref<10240x144xf32, #tpu.memory_space<hbm>>) dst(%arg12 : memref<128x144xf32, #tpu.memory_space<vmem>>)
      "tpu.region"() ({
        %run_scoped3A = tpu.sem_alloc : memref<!tpu.dma_semaphore, #tpu.memory_space<semaphore_mem>>
        %dma_start3A_54 = arith.constant 0 : i32
        %dma_start3A_55 = arith.constant 0 : i32
        %dma_start3A_56 = tpu.memref_slice %arg13[%dma_start3A_54, %dma_start3A_55] : memref<10240x144xf32, #tpu.memory_space<vmem_shared>> -> memref<10240x144xf32, #tpu.memory_space<vmem_shared>>
        tpu.enqueue_indirect_dma source(%arg12 : memref<128x144xf32, #tpu.memory_space<vmem>>) target(%dma_start3A_56 : memref<10240x144xf32, #tpu.memory_space<vmem_shared>>) offsets(%arg10 : memref<128xi32, #tpu.memory_space<vmem>>) semaphore(%run_scoped3A : memref<!tpu.dma_semaphore, #tpu.memory_space<semaphore_mem>>) {add = true}
        %dma_wait3A_57 = arith.constant 0 : i32
        %dma_wait3A_58 = arith.constant 0 : i32
        %dma_wait3A_59 = tpu.memref_slice %arg13[%dma_wait3A_57, %dma_wait3A_58] : memref<10240x144xf32, #tpu.memory_space<vmem_shared>> -> memref<10240x144xf32, #tpu.memory_space<vmem_shared>>
        tpu.wait_indirect_dma semaphore(%run_scoped3A : memref<!tpu.dma_semaphore, #tpu.memory_space<semaphore_mem>>) src(%arg12 : memref<128x144xf32, #tpu.memory_space<vmem>>) dst(%dma_wait3A_59 : memref<10240x144xf32, #tpu.memory_space<vmem_shared>>)
        tpu.yield
      }) : () -> ()
    }
    %scan3A_17 = arith.constant 39 : i32
    %add3A_18 = arith.constant 9984 : i32
    %add3A_19 = arith.addi %mul3A_4, %add3A_18 : i32
    "tpu.region"() ({
      %run_scoped3A = tpu.sem_alloc : memref<!tpu.dma_semaphore, #tpu.memory_space<semaphore_mem>>
      %dma_start3A_26 = tpu.memref_slice %arg4[%add3A_19] : memref<323584xi32, #tpu.memory_space<hbm>> -> memref<128xi32, #tpu.memory_space<hbm>>
      %dma_start3A_27 = tpu.memref_slice %arg4[%add3A_19] : memref<323584xi32, #tpu.memory_space<hbm>> -> memref<128xi32, #tpu.memory_space<hbm>>
      tpu.enqueue_dma source(%dma_start3A_27 : memref<128xi32, #tpu.memory_space<hbm>>) target(%arg9 : memref<128xi32, #tpu.memory_space<vmem>>) target_semaphore(%run_scoped3A : memref<!tpu.dma_semaphore, #tpu.memory_space<semaphore_mem>>)
      %dma_wait3A_28 = tpu.memref_slice %arg4[%add3A_19] : memref<323584xi32, #tpu.memory_space<hbm>> -> memref<128xi32, #tpu.memory_space<hbm>>
      %dma_wait3A_29 = tpu.memref_slice %arg4[%add3A_19] : memref<323584xi32, #tpu.memory_space<hbm>> -> memref<128xi32, #tpu.memory_space<hbm>>
      tpu.wait_dma2 semaphore(%run_scoped3A : memref<!tpu.dma_semaphore, #tpu.memory_space<semaphore_mem>>) src(%dma_wait3A_29 : memref<128xi32, #tpu.memory_space<hbm>>) dst(%arg9 : memref<128xi32, #tpu.memory_space<vmem>>)
      tpu.yield
    }) : () -> ()
    %dma_wait3A = arith.constant 0 : i32
    %dma_wait3A_20 = arith.constant 0 : i32
    %dma_wait3A_21 = tpu.memref_slice %arg2[%dma_wait3A, %dma_wait3A_20] : memref<10240x144xf32, #tpu.memory_space<hbm>> -> memref<10240x144xf32, #tpu.memory_space<hbm>>
    tpu.wait_indirect_dma semaphore(%arg14 : memref<!tpu.dma_semaphore, #tpu.memory_space<semaphore_mem>>) src(%dma_wait3A_21 : memref<10240x144xf32, #tpu.memory_space<hbm>>) dst(%arg11 : memref<128x144xf32, #tpu.memory_space<vmem>>)
    "tpu.region"() ({
      %run_scoped3A = tpu.sem_alloc : memref<!tpu.dma_semaphore, #tpu.memory_space<semaphore_mem>>
      %dma_start3A_26 = arith.constant 0 : i32
      %dma_start3A_27 = arith.constant 0 : i32
      %dma_start3A_28 = tpu.memref_slice %arg13[%dma_start3A_26, %dma_start3A_27] : memref<10240x144xf32, #tpu.memory_space<vmem_shared>> -> memref<10240x144xf32, #tpu.memory_space<vmem_shared>>
      tpu.enqueue_indirect_dma source(%arg11 : memref<128x144xf32, #tpu.memory_space<vmem>>) target(%dma_start3A_28 : memref<10240x144xf32, #tpu.memory_space<vmem_shared>>) offsets(%arg9 : memref<128xi32, #tpu.memory_space<vmem>>) semaphore(%run_scoped3A : memref<!tpu.dma_semaphore, #tpu.memory_space<semaphore_mem>>) {add = true}
      %dma_wait3A_29 = arith.constant 0 : i32
      %dma_wait3A_30 = arith.constant 0 : i32
      %dma_wait3A_31 = tpu.memref_slice %arg13[%dma_wait3A_29, %dma_wait3A_30] : memref<10240x144xf32, #tpu.memory_space<vmem_shared>> -> memref<10240x144xf32, #tpu.memory_space<vmem_shared>>
      tpu.wait_indirect_dma semaphore(%run_scoped3A : memref<!tpu.dma_semaphore, #tpu.memory_space<semaphore_mem>>) src(%arg11 : memref<128x144xf32, #tpu.memory_space<vmem>>) dst(%dma_wait3A_31 : memref<10240x144xf32, #tpu.memory_space<vmem_shared>>)
      tpu.yield
    }) : () -> ()
    %barrier3A_22 = arith.constant 0 : index
    tpu.barrier barrier_id(%barrier3A_22)
    %mul3A_23 = arith.constant 10240 : i32
    %mul3A_24 = arith.muli %arg0, %mul3A_23 : i32
    %add3A_25 = arith.addi %mul3A_24, %mul3A_2 : i32
    "tpu.region"() ({
      %run_scoped3A = tpu.sem_alloc : memref<!tpu.dma_semaphore, #tpu.memory_space<semaphore_mem>>
      %dma_start3A_26 = arith.constant 0 : i32
      %dma_start3A_27 = tpu.memref_slice %arg6[%add3A_25, %dma_start3A_26] : memref<20480x144xf32, #tpu.memory_space<hbm>> -> memref<640x144xf32, #tpu.memory_space<hbm>>
      %dma_start3A_28 = arith.constant 0 : i32
      %dma_start3A_29 = tpu.memref_slice %arg13[%mul3A_2, %dma_start3A_28] : memref<10240x144xf32, #tpu.memory_space<vmem_shared>> -> memref<640x144xf32, #tpu.memory_space<vmem_shared>>
      tpu.enqueue_dma source(%dma_start3A_29 : memref<640x144xf32, #tpu.memory_space<vmem_shared>>) target(%dma_start3A_27 : memref<640x144xf32, #tpu.memory_space<hbm>>) target_semaphore(%run_scoped3A : memref<!tpu.dma_semaphore, #tpu.memory_space<semaphore_mem>>)
      %dma_wait3A_30 = arith.constant 0 : i32
      %dma_wait3A_31 = tpu.memref_slice %arg6[%add3A_25, %dma_wait3A_30] : memref<20480x144xf32, #tpu.memory_space<hbm>> -> memref<640x144xf32, #tpu.memory_space<hbm>>
      %dma_wait3A_32 = arith.constant 0 : i32
      %dma_wait3A_33 = tpu.memref_slice %arg13[%mul3A_2, %dma_wait3A_32] : memref<10240x144xf32, #tpu.memory_space<vmem_shared>> -> memref<640x144xf32, #tpu.memory_space<vmem_shared>>
      tpu.wait_dma2 semaphore(%run_scoped3A : memref<!tpu.dma_semaphore, #tpu.memory_space<semaphore_mem>>) src(%dma_wait3A_33 : memref<640x144xf32, #tpu.memory_space<vmem_shared>>) dst(%dma_wait3A_31 : memref<640x144xf32, #tpu.memory_space<hbm>>)
      tpu.yield
    }) : () -> ()
    return
  }
}

module attributes {stable_mosaic.version = 14 : i64} {
  func.func @_prep_body(%arg0: i32, %arg1: memref<512x128xf32, #tpu.memory_space<vmem>>, %arg2: memref<512x16xf32, #tpu.memory_space<vmem>>, %arg3: memref<512x144xf32, #tpu.memory_space<vmem>>) attributes {dimension_semantics = [#tpu.dimension_semantics<arbitrary>], iteration_bounds = array<i64: 20>, scalar_prefetch = 0 : i64, scratch_operands = 0 : i64, tpu.core_type = #tpu.core_type<tc>, window_params = [{transform_indices = @transform_0, window_bounds = array<i64: 512, 128>}, {pipeline_mode = #tpu.pipeline_mode<synchronous>, transform_indices = @transform_1, window_bounds = array<i64: 512, 16>}, {transform_indices = @transform_2, window_bounds = array<i64: 512, 144>}]} {
    %get3A = arith.constant 0 : index
    %get3A_0 = arith.constant 0 : index
    %get3A_1 = vector.load %arg1[%get3A, %get3A_0] : memref<512x128xf32, #tpu.memory_space<vmem>>, vector<512x128xf32>
    %slice3A = vector.extract_strided_slice %get3A_1 {offsets = [0, 0], sizes = [512, 1], strides = [1, 1]} : vector<512x128xf32> to vector<512x1xf32>
    %convert_element_type3A = arith.fptosi %slice3A : vector<512x1xf32> to vector<512x1xi32>
    %iota3A = tpu.iota {dimensions = array<i32: 1>} : vector<512x512xi32>
    %eq3A = vector.broadcast %convert_element_type3A : vector<512x1xi32> to vector<512x512xi32>
    %eq3A_2 = arith.cmpi eq, %eq3A, %iota3A : vector<512x512xi32>
    %convert_element_type3A_3 = arith.extui %eq3A_2 : vector<512x512xi1> to vector<512x512xi32>
    %convert_element_type3A_4 = arith.sitofp %convert_element_type3A_3 : vector<512x512xi32> to vector<512x512xf32>
    %get3A_5 = arith.constant 0 : index
    %get3A_6 = arith.constant 0 : index
    %get3A_7 = vector.load %arg2[%get3A_5, %get3A_6] : memref<512x16xf32, #tpu.memory_space<vmem>>, vector<512x16xf32>
    %dot_general3A = arith.constant dense<0.000000e+00> : vector<512x16xf32>
    %dot_general3A_8 = tpu.matmul %convert_element_type3A_4, %get3A_7, %dot_general3A {dimension_numbers = #tpu.dot_dimension_numbers<[1], [0], [0], [1], [0, 0, 1, 1], [], []>, transpose_lhs_hint = false} : vector<512x512xf32>, vector<512x16xf32>, vector<512x16xf32> -> vector<512x16xf32>
    %broadcast_in_dim3A = arith.constant 0.000000e+00 : f32
    %broadcast_in_dim3A_9 = vector.broadcast %broadcast_in_dim3A : f32 to vector<512x1xf32>
    %slice3A_10 = vector.extract_strided_slice %get3A_1 {offsets = [0, 1], sizes = [512, 127], strides = [1, 1]} : vector<512x128xf32> to vector<512x127xf32>
    %concatenate3A = tpu.concatenate %slice3A_10, %dot_general3A_8, %broadcast_in_dim3A_9 in 1 : vector<512x127xf32>, vector<512x16xf32>, vector<512x1xf32> -> vector<512x144xf32>
    %swap3A = arith.constant 0 : index
    %swap3A_11 = arith.constant 0 : index
    %swap3A_12 = vector.load %arg3[%swap3A, %swap3A_11] : memref<512x144xf32, #tpu.memory_space<vmem>>, vector<512x144xf32>
    tpu.vector_store %arg3[%swap3A, %swap3A_11], %concatenate3A {strides = array<i32>} : memref<512x144xf32, #tpu.memory_space<vmem>>, vector<512x144xf32>,
    return
  }
  func.func @transform_0(%arg0: i32) -> (i32, i32) {
    %c0_i32 = arith.constant 0 : i32
    %c0_i32_0 = arith.constant 0 : i32
    return %arg0, %c0_i32 : i32, i32
  }
  func.func @transform_1(%arg0: i32) -> (i32, i32) {
    %c0_i32 = arith.constant 0 : i32
    %c0_i32_0 = arith.constant 0 : i32
    %c0_i32_1 = arith.constant 0 : i32
    return %c0_i32, %c0_i32_0 : i32, i32
  }
  func.func @transform_2(%arg0: i32) -> (i32, i32) {
    %c0_i32 = arith.constant 0 : i32
    %c0_i32_0 = arith.constant 0 : i32
    return %arg0, %c0_i32 : i32, i32
  }
}

module attributes {stable_mosaic.version = 14 : i64} {
  func.func @_mlp_body(%arg0: i32, %arg1: memref<512x144xf32, #tpu.memory_space<vmem>>, %arg2: memref<512x144xf32, #tpu.memory_space<vmem>>, %arg3: memref<512x144xf32, #tpu.memory_space<vmem>>, %arg4: memref<144x128xf32, #tpu.memory_space<vmem>>, %arg5: memref<1x128xf32, #tpu.memory_space<vmem>>, %arg6: memref<128x128xf32, #tpu.memory_space<vmem>>, %arg7: memref<1x128xf32, #tpu.memory_space<vmem>>, %arg8: memref<1x128xf32, #tpu.memory_space<vmem>>, %arg9: memref<1x128xf32, #tpu.memory_space<vmem>>, %arg10: memref<512x128xf32, #tpu.memory_space<vmem>>) attributes {dimension_semantics = [#tpu.dimension_semantics<arbitrary>], iteration_bounds = array<i64: 20>, scalar_prefetch = 0 : i64, scratch_operands = 0 : i64, tpu.core_type = #tpu.core_type<tc>, window_params = [{transform_indices = @transform_0, window_bounds = array<i64: 512, 144>}, {transform_indices = @transform_1, window_bounds = array<i64: 512, 144>}, {transform_indices = @transform_2, window_bounds = array<i64: 512, 144>}, {pipeline_mode = #tpu.pipeline_mode<synchronous>, transform_indices = @transform_3, window_bounds = array<i64: 144, 128>}, {pipeline_mode = #tpu.pipeline_mode<synchronous>, transform_indices = @transform_4, window_bounds = array<i64: 1, 128>}, {pipeline_mode = #tpu.pipeline_mode<synchronous>, transform_indices = @transform_5, window_bounds = array<i64: 128, 128>}, {pipeline_mode = #tpu.pipeline_mode<synchronous>, transform_indices = @transform_6, window_bounds = array<i64: 1, 128>}, {pipeline_mode = #tpu.pipeline_mode<synchronous>, transform_indices = @transform_7, window_bounds = array<i64: 1, 128>}, {pipeline_mode = #tpu.pipeline_mode<synchronous>, transform_indices = @transform_8, window_bounds = array<i64: 1, 128>}, {transform_indices = @transform_9, window_bounds = array<i64: 512, 128>}]} {
    %get3A = arith.constant 0 : index
    %get3A_0 = arith.constant 0 : index
    %get3A_1 = vector.load %arg1[%get3A, %get3A_0] : memref<512x144xf32, #tpu.memory_space<vmem>>, vector<512x144xf32>
    %get3A_2 = arith.constant 0 : index
    %get3A_3 = arith.constant 0 : index
    %get3A_4 = vector.load %arg2[%get3A_2, %get3A_3] : memref<512x144xf32, #tpu.memory_space<vmem>>, vector<512x144xf32>
    %add3A = arith.addf %get3A_1, %get3A_4 : vector<512x144xf32>
    %get3A_5 = arith.constant 0 : index
    %get3A_6 = arith.constant 0 : index
    %get3A_7 = vector.load %arg3[%get3A_5, %get3A_6] : memref<512x144xf32, #tpu.memory_space<vmem>>, vector<512x144xf32>
    %add3A_8 = arith.addf %add3A, %get3A_7 : vector<512x144xf32>
    %get3A_9 = arith.constant 0 : index
    %get3A_10 = arith.constant 0 : index
    %get3A_11 = vector.load %arg4[%get3A_9, %get3A_10] : memref<144x128xf32, #tpu.memory_space<vmem>>, vector<144x128xf32>
    %dot_general3A = arith.constant dense<0.000000e+00> : vector<512x128xf32>
    %dot_general3A_12 = tpu.matmul %add3A_8, %get3A_11, %dot_general3A {dimension_numbers = #tpu.dot_dimension_numbers<[1], [0], [0], [1], [0, 0, 1, 1], [], []>, transpose_lhs_hint = false} : vector<512x144xf32>, vector<144x128xf32>, vector<512x128xf32> -> vector<512x128xf32>
    %get3A_13 = arith.constant 0 : index
    %get3A_14 = arith.constant 0 : index
    %get3A_15 = vector.load %arg5[%get3A_13, %get3A_14] : memref<1x128xf32, #tpu.memory_space<vmem>>, vector<1x128xf32>
    %add3A_16 = vector.broadcast %get3A_15 : vector<1x128xf32> to vector<512x128xf32>
    %add3A_17 = arith.addf %dot_general3A_12, %add3A_16 : vector<512x128xf32>
    %max3A = arith.constant 0.000000e+00 : f32
    %max3A_18 = vector.broadcast %max3A : f32 to vector<512x128xf32>
    %max3A_19 = arith.maximumf %add3A_17, %max3A_18 : vector<512x128xf32>
    %get3A_20 = arith.constant 0 : index
    %get3A_21 = arith.constant 0 : index
    %get3A_22 = vector.load %arg6[%get3A_20, %get3A_21] : memref<128x128xf32, #tpu.memory_space<vmem>>, vector<128x128xf32>
    %dot_general3A_23 = arith.constant dense<0.000000e+00> : vector<512x128xf32>
    %dot_general3A_24 = tpu.matmul %max3A_19, %get3A_22, %dot_general3A_23 {dimension_numbers = #tpu.dot_dimension_numbers<[1], [0], [0], [1], [0, 0, 1, 1], [], []>, transpose_lhs_hint = false} : vector<512x128xf32>, vector<128x128xf32>, vector<512x128xf32> -> vector<512x128xf32>
    %get3A_25 = arith.constant 0 : index
    %get3A_26 = arith.constant 0 : index
    %get3A_27 = vector.load %arg7[%get3A_25, %get3A_26] : memref<1x128xf32, #tpu.memory_space<vmem>>, vector<1x128xf32>
    %add3A_28 = vector.broadcast %get3A_27 : vector<1x128xf32> to vector<512x128xf32>
    %add3A_29 = arith.addf %dot_general3A_24, %add3A_28 : vector<512x128xf32>
    %reduce_sum3A = arith.constant dense<0.000000e+00> : vector<512xf32>
    %reduce_sum3A_30 = vector.multi_reduction <add>, %add3A_29, %reduce_sum3A [1] : vector<512x128xf32> to vector<512xf32>
    %broadcast_in_dim3A = vector.shape_cast %reduce_sum3A_30 : vector<512xf32> to vector<512x1xf32>
    %div3A = arith.constant 1.280000e+02 : f32
    %div3A_31 = vector.broadcast %div3A : f32 to vector<512x1xf32>
    %div3A_32 = arith.divf %broadcast_in_dim3A, %div3A_31 : vector<512x1xf32>
    %sub3A = vector.broadcast %div3A_32 : vector<512x1xf32> to vector<512x128xf32>
    %sub3A_33 = arith.subf %add3A_29, %sub3A : vector<512x128xf32>
    %integer_pow3A = arith.mulf %sub3A_33, %sub3A_33 : vector<512x128xf32>
    %reduce_sum3A_34 = arith.constant dense<0.000000e+00> : vector<512xf32>
    %reduce_sum3A_35 = vector.multi_reduction <add>, %integer_pow3A, %reduce_sum3A_34 [1] : vector<512x128xf32> to vector<512xf32>
    %broadcast_in_dim3A_36 = vector.shape_cast %reduce_sum3A_35 : vector<512xf32> to vector<512x1xf32>
    %div3A_37 = arith.constant 1.280000e+02 : f32
    %div3A_38 = vector.broadcast %div3A_37 : f32 to vector<512x1xf32>
    %div3A_39 = arith.divf %broadcast_in_dim3A_36, %div3A_38 : vector<512x1xf32>
    %sub3A_40 = vector.broadcast %div3A_32 : vector<512x1xf32> to vector<512x128xf32>
    %sub3A_41 = arith.subf %add3A_29, %sub3A_40 : vector<512x128xf32>
    %add3A_42 = arith.constant 9.99999974E-6 : f32
    %add3A_43 = vector.broadcast %add3A_42 : f32 to vector<512x1xf32>
    %add3A_44 = arith.addf %div3A_39, %add3A_43 : vector<512x1xf32>
    %rsqrt3A = math.rsqrt %add3A_44 : vector<512x1xf32>
    %mul3A = vector.broadcast %rsqrt3A : vector<512x1xf32> to vector<512x128xf32>
    %mul3A_45 = arith.mulf %sub3A_41, %mul3A : vector<512x128xf32>
    %get3A_46 = arith.constant 0 : index
    %get3A_47 = arith.constant 0 : index
    %get3A_48 = vector.load %arg8[%get3A_46, %get3A_47] : memref<1x128xf32, #tpu.memory_space<vmem>>, vector<1x128xf32>
    %mul3A_49 = vector.broadcast %get3A_48 : vector<1x128xf32> to vector<512x128xf32>
    %mul3A_50 = arith.mulf %mul3A_45, %mul3A_49 : vector<512x128xf32>
    %get3A_51 = arith.constant 0 : index
    %get3A_52 = arith.constant 0 : index
    %get3A_53 = vector.load %arg9[%get3A_51, %get3A_52] : memref<1x128xf32, #tpu.memory_space<vmem>>, vector<1x128xf32>
    %add3A_54 = vector.broadcast %get3A_53 : vector<1x128xf32> to vector<512x128xf32>
    %add3A_55 = arith.addf %mul3A_50, %add3A_54 : vector<512x128xf32>
    %max3A_56 = arith.constant 0.000000e+00 : f32
    %max3A_57 = vector.broadcast %max3A_56 : f32 to vector<512x128xf32>
    %max3A_58 = arith.maximumf %add3A_55, %max3A_57 : vector<512x128xf32>
    %swap3A = arith.constant 0 : index
    %swap3A_59 = arith.constant 0 : index
    %swap3A_60 = vector.load %arg10[%swap3A, %swap3A_59] : memref<512x128xf32, #tpu.memory_space<vmem>>, vector<512x128xf32>
    tpu.vector_store %arg10[%swap3A, %swap3A_59], %max3A_58 {strides = array<i32>} : memref<512x128xf32, #tpu.memory_space<vmem>>, vector<512x128xf32>,
    return
  }
  func.func @transform_0(%arg0: i32) -> (i32, i32) {
    %c0_i32 = arith.constant 0 : i32
    %c0_i32_0 = arith.constant 0 : i32
    return %arg0, %c0_i32 : i32, i32
  }
  func.func @transform_1(%arg0: i32) -> (i32, i32) {
    %c0_i32 = arith.constant 0 : i32
    %c0_i32_0 = arith.constant 0 : i32
    return %arg0, %c0_i32 : i32, i32
  }
  func.func @transform_2(%arg0: i32) -> (i32, i32) {
    %add3A = arith.constant 20 : i32
    %add3A_0 = arith.addi %arg0, %add3A : i32
    %c0_i32 = arith.constant 0 : i32
    %c0_i32_1 = arith.constant 0 : i32
    return %add3A_0, %c0_i32 : i32, i32
  }
  func.func @transform_3(%arg0: i32) -> (i32, i32) {
    %c0_i32 = arith.constant 0 : i32
    %c0_i32_0 = arith.constant 0 : i32
    %c0_i32_1 = arith.constant 0 : i32
    return %c0_i32, %c0_i32_0 : i32, i32
  }
  func.func @transform_4(%arg0: i32) -> (i32, i32) {
    %c0_i32 = arith.constant 0 : i32
    %c0_i32_0 = arith.constant 0 : i32
    %c0_i32_1 = arith.constant 0 : i32
    return %c0_i32, %c0_i32_0 : i32, i32
  }
  func.func @transform_5(%arg0: i32) -> (i32, i32) {
    %c0_i32 = arith.constant 0 : i32
    %c0_i32_0 = arith.constant 0 : i32
    %c0_i32_1 = arith.constant 0 : i32
    return %c0_i32, %c0_i32_0 : i32, i32
  }
  func.func @transform_6(%arg0: i32) -> (i32, i32) {
    %c0_i32 = arith.constant 0 : i32
    %c0_i32_0 = arith.constant 0 : i32
    %c0_i32_1 = arith.constant 0 : i32
    return %c0_i32, %c0_i32_0 : i32, i32
  }
  func.func @transform_7(%arg0: i32) -> (i32, i32) {
    %c0_i32 = arith.constant 0 : i32
    %c0_i32_0 = arith.constant 0 : i32
    %c0_i32_1 = arith.constant 0 : i32
    return %c0_i32, %c0_i32_0 : i32, i32
  }
  func.func @transform_8(%arg0: i32) -> (i32, i32) {
    %c0_i32 = arith.constant 0 : i32
    %c0_i32_0 = arith.constant 0 : i32
    %c0_i32_1 = arith.constant 0 : i32
    return %c0_i32, %c0_i32_0 : i32, i32
  }
  func.func @transform_9(%arg0: i32) -> (i32, i32) {
    %c0_i32 = arith.constant 0 : i32
    %c0_i32_0 = arith.constant 0 : i32
    return %arg0, %c0_i32 : i32, i32
  }
}

module attributes {stable_mosaic.version = 14 : i64} {
  func.func @_mlp_body(%arg0: i32, %arg1: memref<512x128xf32, #tpu.memory_space<vmem>>, %arg2: memref<512x128xf32, #tpu.memory_space<vmem>>, %arg3: memref<512x128xf32, #tpu.memory_space<vmem>>, %arg4: memref<128x128xf32, #tpu.memory_space<vmem>>, %arg5: memref<1x128xf32, #tpu.memory_space<vmem>>, %arg6: memref<128x128xf32, #tpu.memory_space<vmem>>, %arg7: memref<1x128xf32, #tpu.memory_space<vmem>>, %arg8: memref<1x128xf32, #tpu.memory_space<vmem>>, %arg9: memref<1x128xf32, #tpu.memory_space<vmem>>, %arg10: memref<512x128xf32, #tpu.memory_space<vmem>>) attributes {dimension_semantics = [#tpu.dimension_semantics<arbitrary>], iteration_bounds = array<i64: 20>, scalar_prefetch = 0 : i64, scratch_operands = 0 : i64, tpu.core_type = #tpu.core_type<tc>, window_params = [{transform_indices = @transform_0, window_bounds = array<i64: 512, 128>}, {transform_indices = @transform_1, window_bounds = array<i64: 512, 128>}, {transform_indices = @transform_2, window_bounds = array<i64: 512, 128>}, {pipeline_mode = #tpu.pipeline_mode<synchronous>, transform_indices = @transform_3, window_bounds = array<i64: 128, 128>}, {pipeline_mode = #tpu.pipeline_mode<synchronous>, transform_indices = @transform_4, window_bounds = array<i64: 1, 128>}, {pipeline_mode = #tpu.pipeline_mode<synchronous>, transform_indices = @transform_5, window_bounds = array<i64: 128, 128>}, {pipeline_mode = #tpu.pipeline_mode<synchronous>, transform_indices = @transform_6, window_bounds = array<i64: 1, 128>}, {pipeline_mode = #tpu.pipeline_mode<synchronous>, transform_indices = @transform_7, window_bounds = array<i64: 1, 128>}, {pipeline_mode = #tpu.pipeline_mode<synchronous>, transform_indices = @transform_8, window_bounds = array<i64: 1, 128>}, {transform_indices = @transform_9, window_bounds = array<i64: 512, 128>}]} {
    %get3A = arith.constant 0 : index
    %get3A_0 = arith.constant 0 : index
    %get3A_1 = vector.load %arg1[%get3A, %get3A_0] : memref<512x128xf32, #tpu.memory_space<vmem>>, vector<512x128xf32>
    %get3A_2 = arith.constant 0 : index
    %get3A_3 = arith.constant 0 : index
    %get3A_4 = vector.load %arg2[%get3A_2, %get3A_3] : memref<512x128xf32, #tpu.memory_space<vmem>>, vector<512x128xf32>
    %add3A = arith.addf %get3A_1, %get3A_4 : vector<512x128xf32>
    %get3A_5 = arith.constant 0 : index
    %get3A_6 = arith.constant 0 : index
    %get3A_7 = vector.load %arg3[%get3A_5, %get3A_6] : memref<512x128xf32, #tpu.memory_space<vmem>>, vector<512x128xf32>
    %add3A_8 = arith.addf %add3A, %get3A_7 : vector<512x128xf32>
    %get3A_9 = arith.constant 0 : index
    %get3A_10 = arith.constant 0 : index
    %get3A_11 = vector.load %arg4[%get3A_9, %get3A_10] : memref<128x128xf32, #tpu.memory_space<vmem>>, vector<128x128xf32>
    %dot_general3A = arith.constant dense<0.000000e+00> : vector<512x128xf32>
    %dot_general3A_12 = tpu.matmul %add3A_8, %get3A_11, %dot_general3A {dimension_numbers = #tpu.dot_dimension_numbers<[1], [0], [0], [1], [0, 0, 1, 1], [], []>, transpose_lhs_hint = false} : vector<512x128xf32>, vector<128x128xf32>, vector<512x128xf32> -> vector<512x128xf32>
    %get3A_13 = arith.constant 0 : index
    %get3A_14 = arith.constant 0 : index
    %get3A_15 = vector.load %arg5[%get3A_13, %get3A_14] : memref<1x128xf32, #tpu.memory_space<vmem>>, vector<1x128xf32>
    %add3A_16 = vector.broadcast %get3A_15 : vector<1x128xf32> to vector<512x128xf32>
    %add3A_17 = arith.addf %dot_general3A_12, %add3A_16 : vector<512x128xf32>
    %max3A = arith.constant 0.000000e+00 : f32
    %max3A_18 = vector.broadcast %max3A : f32 to vector<512x128xf32>
    %max3A_19 = arith.maximumf %add3A_17, %max3A_18 : vector<512x128xf32>
    %get3A_20 = arith.constant 0 : index
    %get3A_21 = arith.constant 0 : index
    %get3A_22 = vector.load %arg6[%get3A_20, %get3A_21] : memref<128x128xf32, #tpu.memory_space<vmem>>, vector<128x128xf32>
    %dot_general3A_23 = arith.constant dense<0.000000e+00> : vector<512x128xf32>
    %dot_general3A_24 = tpu.matmul %max3A_19, %get3A_22, %dot_general3A_23 {dimension_numbers = #tpu.dot_dimension_numbers<[1], [0], [0], [1], [0, 0, 1, 1], [], []>, transpose_lhs_hint = false} : vector<512x128xf32>, vector<128x128xf32>, vector<512x128xf32> -> vector<512x128xf32>
    %get3A_25 = arith.constant 0 : index
    %get3A_26 = arith.constant 0 : index
    %get3A_27 = vector.load %arg7[%get3A_25, %get3A_26] : memref<1x128xf32, #tpu.memory_space<vmem>>, vector<1x128xf32>
    %add3A_28 = vector.broadcast %get3A_27 : vector<1x128xf32> to vector<512x128xf32>
    %add3A_29 = arith.addf %dot_general3A_24, %add3A_28 : vector<512x128xf32>
    %reduce_sum3A = arith.constant dense<0.000000e+00> : vector<512xf32>
    %reduce_sum3A_30 = vector.multi_reduction <add>, %add3A_29, %reduce_sum3A [1] : vector<512x128xf32> to vector<512xf32>
    %broadcast_in_dim3A = vector.shape_cast %reduce_sum3A_30 : vector<512xf32> to vector<512x1xf32>
    %div3A = arith.constant 1.280000e+02 : f32
    %div3A_31 = vector.broadcast %div3A : f32 to vector<512x1xf32>
    %div3A_32 = arith.divf %broadcast_in_dim3A, %div3A_31 : vector<512x1xf32>
    %sub3A = vector.broadcast %div3A_32 : vector<512x1xf32> to vector<512x128xf32>
    %sub3A_33 = arith.subf %add3A_29, %sub3A : vector<512x128xf32>
    %integer_pow3A = arith.mulf %sub3A_33, %sub3A_33 : vector<512x128xf32>
    %reduce_sum3A_34 = arith.constant dense<0.000000e+00> : vector<512xf32>
    %reduce_sum3A_35 = vector.multi_reduction <add>, %integer_pow3A, %reduce_sum3A_34 [1] : vector<512x128xf32> to vector<512xf32>
    %broadcast_in_dim3A_36 = vector.shape_cast %reduce_sum3A_35 : vector<512xf32> to vector<512x1xf32>
    %div3A_37 = arith.constant 1.280000e+02 : f32
    %div3A_38 = vector.broadcast %div3A_37 : f32 to vector<512x1xf32>
    %div3A_39 = arith.divf %broadcast_in_dim3A_36, %div3A_38 : vector<512x1xf32>
    %sub3A_40 = vector.broadcast %div3A_32 : vector<512x1xf32> to vector<512x128xf32>
    %sub3A_41 = arith.subf %add3A_29, %sub3A_40 : vector<512x128xf32>
    %add3A_42 = arith.constant 9.99999974E-6 : f32
    %add3A_43 = vector.broadcast %add3A_42 : f32 to vector<512x1xf32>
    %add3A_44 = arith.addf %div3A_39, %add3A_43 : vector<512x1xf32>
    %rsqrt3A = math.rsqrt %add3A_44 : vector<512x1xf32>
    %mul3A = vector.broadcast %rsqrt3A : vector<512x1xf32> to vector<512x128xf32>
    %mul3A_45 = arith.mulf %sub3A_41, %mul3A : vector<512x128xf32>
    %get3A_46 = arith.constant 0 : index
    %get3A_47 = arith.constant 0 : index
    %get3A_48 = vector.load %arg8[%get3A_46, %get3A_47] : memref<1x128xf32, #tpu.memory_space<vmem>>, vector<1x128xf32>
    %mul3A_49 = vector.broadcast %get3A_48 : vector<1x128xf32> to vector<512x128xf32>
    %mul3A_50 = arith.mulf %mul3A_45, %mul3A_49 : vector<512x128xf32>
    %get3A_51 = arith.constant 0 : index
    %get3A_52 = arith.constant 0 : index
    %get3A_53 = vector.load %arg9[%get3A_51, %get3A_52] : memref<1x128xf32, #tpu.memory_space<vmem>>, vector<1x128xf32>
    %add3A_54 = vector.broadcast %get3A_53 : vector<1x128xf32> to vector<512x128xf32>
    %add3A_55 = arith.addf %mul3A_50, %add3A_54 : vector<512x128xf32>
    %max3A_56 = arith.constant 0.000000e+00 : f32
    %max3A_57 = vector.broadcast %max3A_56 : f32 to vector<512x128xf32>
    %max3A_58 = arith.maximumf %add3A_55, %max3A_57 : vector<512x128xf32>
    %swap3A = arith.constant 0 : index
    %swap3A_59 = arith.constant 0 : index
    %swap3A_60 = vector.load %arg10[%swap3A, %swap3A_59] : memref<512x128xf32, #tpu.memory_space<vmem>>, vector<512x128xf32>
    tpu.vector_store %arg10[%swap3A, %swap3A_59], %max3A_58 {strides = array<i32>} : memref<512x128xf32, #tpu.memory_space<vmem>>, vector<512x128xf32>,
    return
  }
  func.func @transform_0(%arg0: i32) -> (i32, i32) {
    %c0_i32 = arith.constant 0 : i32
    %c0_i32_0 = arith.constant 0 : i32
    return %arg0, %c0_i32 : i32, i32
  }
  func.func @transform_1(%arg0: i32) -> (i32, i32) {
    %c0_i32 = arith.constant 0 : i32
    %c0_i32_0 = arith.constant 0 : i32
    return %arg0, %c0_i32 : i32, i32
  }
  func.func @transform_2(%arg0: i32) -> (i32, i32) {
    %add3A = arith.constant 20 : i32
    %add3A_0 = arith.addi %arg0, %add3A : i32
    %c0_i32 = arith.constant 0 : i32
    %c0_i32_1 = arith.constant 0 : i32
    return %add3A_0, %c0_i32 : i32, i32
  }
  func.func @transform_3(%arg0: i32) -> (i32, i32) {
    %c0_i32 = arith.constant 0 : i32
    %c0_i32_0 = arith.constant 0 : i32
    %c0_i32_1 = arith.constant 0 : i32
    return %c0_i32, %c0_i32_0 : i32, i32
  }
  func.func @transform_4(%arg0: i32) -> (i32, i32) {
    %c0_i32 = arith.constant 0 : i32
    %c0_i32_0 = arith.constant 0 : i32
    %c0_i32_1 = arith.constant 0 : i32
    return %c0_i32, %c0_i32_0 : i32, i32
  }
  func.func @transform_5(%arg0: i32) -> (i32, i32) {
    %c0_i32 = arith.constant 0 : i32
    %c0_i32_0 = arith.constant 0 : i32
    %c0_i32_1 = arith.constant 0 : i32
    return %c0_i32, %c0_i32_0 : i32, i32
  }
  func.func @transform_6(%arg0: i32) -> (i32, i32) {
    %c0_i32 = arith.constant 0 : i32
    %c0_i32_0 = arith.constant 0 : i32
    %c0_i32_1 = arith.constant 0 : i32
    return %c0_i32, %c0_i32_0 : i32, i32
  }
  func.func @transform_7(%arg0: i32) -> (i32, i32) {
    %c0_i32 = arith.constant 0 : i32
    %c0_i32_0 = arith.constant 0 : i32
    %c0_i32_1 = arith.constant 0 : i32
    return %c0_i32, %c0_i32_0 : i32, i32
  }
  func.func @transform_8(%arg0: i32) -> (i32, i32) {
    %c0_i32 = arith.constant 0 : i32
    %c0_i32_0 = arith.constant 0 : i32
    %c0_i32_1 = arith.constant 0 : i32
    return %c0_i32, %c0_i32_0 : i32, i32
  }
  func.func @transform_9(%arg0: i32) -> (i32, i32) {
    %c0_i32 = arith.constant 0 : i32
    %c0_i32_0 = arith.constant 0 : i32
    return %arg0, %c0_i32 : i32, i32
  }
}

module attributes {stable_mosaic.version = 14 : i64} {
  func.func @_pool_body(%arg0: i32, %arg1: i32, %arg2: memref<512x128xf32, #tpu.memory_space<vmem>>, %arg3: memref<512x1xf32, #tpu.memory_space<vmem>>, %arg4: memref<128x128xf32, #tpu.memory_space<vmem>>, %arg5: memref<1x128xf32, #tpu.memory_space<vmem>>, %arg6: memref<128x1xf32, #tpu.memory_space<vmem>>, %arg7: memref<1x1xf32, #tpu.memory_space<vmem>>, %arg8: memref<128x128xf32, #tpu.memory_space<vmem>>, %arg9: memref<1x128xf32, #tpu.memory_space<vmem>>, %arg10: memref<128x2xf32, #tpu.memory_space<vmem>>, %arg11: memref<1x2xf32, #tpu.memory_space<vmem>>, %arg12: memref<64x2xf32, #tpu.memory_space<vmem>>, %arg13: memref<10240x1xf32, #tpu.memory_space<vmem>>, %arg14: memref<1x64xf32, #tpu.memory_space<vmem>>, %arg15: memref<1x64xf32, #tpu.memory_space<vmem>>, %arg16: memref<64x128xf32, #tpu.memory_space<vmem>>) attributes {dimension_semantics = [#tpu.dimension_semantics<arbitrary>, #tpu.dimension_semantics<arbitrary>], iteration_bounds = array<i64: 3, 20>, scalar_prefetch = 0 : i64, scratch_operands = 4 : i64, tpu.core_type = #tpu.core_type<tc>, window_params = [{transform_indices = @transform_0, window_bounds = array<i64: 512, 128>}, {transform_indices = @transform_1, window_bounds = array<i64: 512, 1>}, {pipeline_mode = #tpu.pipeline_mode<synchronous>, transform_indices = @transform_2, window_bounds = array<i64: 128, 128>}, {pipeline_mode = #tpu.pipeline_mode<synchronous>, transform_indices = @transform_3, window_bounds = array<i64: 1, 128>}, {pipeline_mode = #tpu.pipeline_mode<synchronous>, transform_indices = @transform_4, window_bounds = array<i64: 128, 1>}, {pipeline_mode = #tpu.pipeline_mode<synchronous>, transform_indices = @transform_5, window_bounds = array<i64: 1, 1>}, {pipeline_mode = #tpu.pipeline_mode<synchronous>, transform_indices = @transform_6, window_bounds = array<i64: 128, 128>}, {pipeline_mode = #tpu.pipeline_mode<synchronous>, transform_indices = @transform_7, window_bounds = array<i64: 1, 128>}, {pipeline_mode = #tpu.pipeline_mode<synchronous>, transform_indices = @transform_8, window_bounds = array<i64: 128, 2>}, {pipeline_mode = #tpu.pipeline_mode<synchronous>, transform_indices = @transform_9, window_bounds = array<i64: 1, 2>}, {pipeline_mode = #tpu.pipeline_mode<synchronous>, transform_indices = @transform_10, window_bounds = array<i64: 64, 2>}]} {
    %get3A = arith.constant 0 : index
    %get3A_0 = arith.constant 0 : index
    %get3A_1 = vector.load %arg2[%get3A, %get3A_0] : memref<512x128xf32, #tpu.memory_space<vmem>>, vector<512x128xf32>
    %get3A_2 = arith.constant 0 : index
    %get3A_3 = arith.constant 0 : index
    %get3A_4 = vector.load %arg3[%get3A_2, %get3A_3] : memref<512x1xf32, #tpu.memory_space<vmem>>, vector<512x1xf32>
    %iota3A = tpu.iota {dimensions = array<i32: 1>} : vector<512x64xi32>
    %convert_element_type3A = arith.sitofp %iota3A : vector<512x64xi32> to vector<512x64xf32>
    %eq3A = vector.broadcast %get3A_4 : vector<512x1xf32> to vector<512x64xf32>
    %eq3A_5 = arith.cmpf oeq, %eq3A, %convert_element_type3A : vector<512x64xf32>
    %convert_element_type3A_6 = arith.extui %eq3A_5 : vector<512x64xi1> to vector<512x64xi32>
    %convert_element_type3A_7 = arith.sitofp %convert_element_type3A_6 : vector<512x64xi32> to vector<512x64xf32>
    %eq3A_8 = arith.constant 0 : i32
    %eq3A_9 = arith.cmpi eq, %arg0, %eq3A_8 : i32
    %convert_element_type3A_10 = arith.extui %eq3A_9 : i1 to i32
    %cond3A = arith.constant 0 : i32
    %cond3A_11 = arith.cmpi ne, %convert_element_type3A_10, %cond3A : i32
    scf.if %cond3A_11 {
      %get3A_29 = arith.constant 0 : index
      %get3A_30 = arith.constant 0 : index
      %get3A_31 = vector.load %arg4[%get3A_29, %get3A_30] : memref<128x128xf32, #tpu.memory_space<vmem>>, vector<128x128xf32>
      %dot_general3A = arith.constant dense<0.000000e+00> : vector<512x128xf32>
      %dot_general3A_32 = tpu.matmul %get3A_1, %get3A_31, %dot_general3A {dimension_numbers = #tpu.dot_dimension_numbers<[1], [0], [0], [1], [0, 0, 1, 1], [], []>, transpose_lhs_hint = false} : vector<512x128xf32>, vector<128x128xf32>, vector<512x128xf32> -> vector<512x128xf32>
      %get3A_33 = arith.constant 0 : index
      %get3A_34 = arith.constant 0 : index
      %get3A_35 = vector.load %arg5[%get3A_33, %get3A_34] : memref<1x128xf32, #tpu.memory_space<vmem>>, vector<1x128xf32>
      %add3A = vector.broadcast %get3A_35 : vector<1x128xf32> to vector<512x128xf32>
      %add3A_36 = arith.addf %dot_general3A_32, %add3A : vector<512x128xf32>
      %max3A = arith.constant 0.000000e+00 : f32
      %max3A_37 = vector.broadcast %max3A : f32 to vector<512x128xf32>
      %max3A_38 = arith.maximumf %add3A_36, %max3A_37 : vector<512x128xf32>
      %get3A_39 = arith.constant 0 : index
      %get3A_40 = arith.constant 0 : index
      %get3A_41 = vector.load %arg6[%get3A_39, %get3A_40] : memref<128x1xf32, #tpu.memory_space<vmem>>, vector<128x1xf32>
      %dot_general3A_42 = arith.constant dense<0.000000e+00> : vector<512x1xf32>
      %dot_general3A_43 = tpu.matmul %max3A_38, %get3A_41, %dot_general3A_42 {dimension_numbers = #tpu.dot_dimension_numbers<[1], [0], [0], [1], [0, 0, 1, 1], [], []>, transpose_lhs_hint = false} : vector<512x128xf32>, vector<128x1xf32>, vector<512x1xf32> -> vector<512x1xf32>
      %get3A_44 = arith.constant 0 : index
      %get3A_45 = arith.constant 0 : index
      %get3A_46 = vector.load %arg7[%get3A_44, %get3A_45] : memref<1x1xf32, #tpu.memory_space<vmem>>, vector<1x1xf32>
      %add3A_47 = vector.broadcast %get3A_46 : vector<1x1xf32> to vector<512x1xf32>
      %add3A_48 = arith.addf %dot_general3A_43, %add3A_47 : vector<512x1xf32>
      %mul3A = arith.constant 512 : i32
      %mul3A_49 = arith.muli %arg1, %mul3A : i32
      %swap3A = arith.index_cast %mul3A_49 : i32 to index
      %swap3A_50 = arith.constant 0 : index
      %swap3A_51 = vector.load %arg13[%swap3A, %swap3A_50] : memref<10240x1xf32, #tpu.memory_space<vmem>>, vector<512x1xf32>
      tpu.vector_store %arg13[%swap3A, %swap3A_50], %add3A_48 {strides = array<i32>} : memref<10240x1xf32, #tpu.memory_space<vmem>>, vector<512x1xf32>,
      %gt3A = arith.constant 0.000000e+00 : f32
      %gt3A_52 = vector.broadcast %gt3A : f32 to vector<512x64xf32>
      %gt3A_53 = arith.cmpf ogt, %convert_element_type3A_7, %gt3A_52 : vector<512x64xf32>
      %jit3A = arith.constant -1.000000e+30 : f32
      %broadcast_in_dim3A = vector.shape_cast %add3A_48 : vector<512x1xf32> to vector<512x1xf32>
      %broadcast_in_dim3A_54 = vector.broadcast %broadcast_in_dim3A : vector<512x1xf32> to vector<512x64xf32>
      %broadcast_in_dim3A_55 = vector.broadcast %jit3A : f32 to vector<512x64xf32>
      %select_n3A = arith.select %gt3A_53, %broadcast_in_dim3A_54, %broadcast_in_dim3A_55 : vector<512x64xi1>, vector<512x64xf32>
      %reduce_max3A = arith.constant dense<0xFF800000> : vector<64xf32>
      %reduce_max3A_56 = vector.multi_reduction <maximumf>, %select_n3A, %reduce_max3A [0] : vector<512x64xf32> to vector<64xf32>
      %broadcast_in_dim3A_57 = vector.shape_cast %reduce_max3A_56 : vector<64xf32> to vector<1x64xf32>
      %eq3A_58 = arith.constant 0 : i32
      %eq3A_59 = arith.cmpi eq, %arg1, %eq3A_58 : i32
      %broadcast_in_dim3A_60 = arith.constant -1.000000e+30 : f32
      %broadcast_in_dim3A_61 = vector.broadcast %broadcast_in_dim3A_60 : f32 to vector<1x64xf32>
      %get3A_62 = arith.constant 0 : index
      %get3A_63 = arith.constant 0 : index
      %get3A_64 = vector.load %arg14[%get3A_62, %get3A_63] : memref<1x64xf32, #tpu.memory_space<vmem>>, vector<1x64xf32>
      %select_n3A_65 = arith.select %eq3A_59, %broadcast_in_dim3A_61, %get3A_64 : vector<1x64xf32>
      %max3A_66 = arith.maximumf %select_n3A_65, %broadcast_in_dim3A_57 : vector<1x64xf32>
      %swap3A_67 = arith.constant 0 : index
      %swap3A_68 = arith.constant 0 : index
      %swap3A_69 = vector.load %arg14[%swap3A_67, %swap3A_68] : memref<1x64xf32, #tpu.memory_space<vmem>>, vector<1x64xf32>
      tpu.vector_store %arg14[%swap3A_67, %swap3A_68], %max3A_66 {strides = array<i32>} : memref<1x64xf32, #tpu.memory_space<vmem>>, vector<1x64xf32>,
    } else {
    }
    %eq3A_12 = arith.constant 1 : i32
    %eq3A_13 = arith.cmpi eq, %arg0, %eq3A_12 : i32
    %convert_element_type3A_14 = arith.extui %eq3A_13 : i1 to i32
    %cond3A_15 = arith.constant 0 : i32
    %cond3A_16 = arith.cmpi ne, %convert_element_type3A_14, %cond3A_15 : i32
    scf.if %cond3A_16 {
      %mul3A = arith.constant 512 : i32
      %mul3A_29 = arith.muli %arg1, %mul3A : i32
      %get3A_30 = arith.index_cast %mul3A_29 : i32 to index
      %get3A_31 = arith.constant 0 : index
      %get3A_32 = vector.load %arg13[%get3A_30, %get3A_31] : memref<10240x1xf32, #tpu.memory_space<vmem>>, vector<512x1xf32>
      %get3A_33 = arith.constant 0 : index
      %get3A_34 = arith.constant 0 : index
      %get3A_35 = vector.load %arg14[%get3A_33, %get3A_34] : memref<1x64xf32, #tpu.memory_space<vmem>>, vector<1x64xf32>
      %mul3A_36 = vector.broadcast %get3A_35 : vector<1x64xf32> to vector<512x64xf32>
      %mul3A_37 = arith.mulf %convert_element_type3A_7, %mul3A_36 : vector<512x64xf32>
      %reduce_sum3A = arith.constant dense<0.000000e+00> : vector<512xf32>
      %reduce_sum3A_38 = vector.multi_reduction <add>, %mul3A_37, %reduce_sum3A [1] : vector<512x64xf32> to vector<512xf32>
      %broadcast_in_dim3A = vector.shape_cast %reduce_sum3A_38 : vector<512xf32> to vector<512x1xf32>
      %sub3A = arith.subf %get3A_32, %broadcast_in_dim3A : vector<512x1xf32>
      %exp3A = math.exp %sub3A : vector<512x1xf32>
      %reduce_max3A = arith.constant dense<0xFF800000> : vector<512xf32>
      %reduce_max3A_39 = vector.multi_reduction <maximumf>, %convert_element_type3A_7, %reduce_max3A [1] : vector<512x64xf32> to vector<512xf32>
      %broadcast_in_dim3A_40 = vector.shape_cast %reduce_max3A_39 : vector<512xf32> to vector<512x1xf32>
      %mul3A_41 = arith.mulf %exp3A, %broadcast_in_dim3A_40 : vector<512x1xf32>
      %eq3A_42 = arith.constant 0 : i32
      %eq3A_43 = arith.cmpi eq, %arg1, %eq3A_42 : i32
      %broadcast_in_dim3A_44 = arith.constant 0.000000e+00 : f32
      %broadcast_in_dim3A_45 = vector.broadcast %broadcast_in_dim3A_44 : f32 to vector<1x64xf32>
      %get3A_46 = arith.constant 0 : index
      %get3A_47 = arith.constant 0 : index
      %get3A_48 = vector.load %arg15[%get3A_46, %get3A_47] : memref<1x64xf32, #tpu.memory_space<vmem>>, vector<1x64xf32>
      %select_n3A = arith.select %eq3A_43, %broadcast_in_dim3A_45, %get3A_48 : vector<1x64xf32>
      %mul3A_49 = vector.broadcast %mul3A_41 : vector<512x1xf32> to vector<512x64xf32>
      %mul3A_50 = arith.mulf %convert_element_type3A_7, %mul3A_49 : vector<512x64xf32>
      %reduce_sum3A_51 = arith.constant dense<0.000000e+00> : vector<64xf32>
      %reduce_sum3A_52 = vector.multi_reduction <add>, %mul3A_50, %reduce_sum3A_51 [0] : vector<512x64xf32> to vector<64xf32>
      %broadcast_in_dim3A_53 = vector.shape_cast %reduce_sum3A_52 : vector<64xf32> to vector<1x64xf32>
      %add3A = arith.addf %select_n3A, %broadcast_in_dim3A_53 : vector<1x64xf32>
      %swap3A = arith.constant 0 : index
      %swap3A_54 = arith.constant 0 : index
      %swap3A_55 = vector.load %arg15[%swap3A, %swap3A_54] : memref<1x64xf32, #tpu.memory_space<vmem>>, vector<1x64xf32>
      tpu.vector_store %arg15[%swap3A, %swap3A_54], %add3A {strides = array<i32>} : memref<1x64xf32, #tpu.memory_space<vmem>>, vector<1x64xf32>,
    } else {
    }
    %eq3A_17 = arith.constant 2 : i32
    %eq3A_18 = arith.cmpi eq, %arg0, %eq3A_17 : i32
    %convert_element_type3A_19 = arith.extui %eq3A_18 : i1 to i32
    %cond3A_20 = arith.constant 0 : i32
    %cond3A_21 = arith.cmpi ne, %convert_element_type3A_19, %cond3A_20 : i32
    scf.if %cond3A_21 {
      %mul3A = arith.constant 512 : i32
      %mul3A_29 = arith.muli %arg1, %mul3A : i32
      %get3A_30 = arith.index_cast %mul3A_29 : i32 to index
      %get3A_31 = arith.constant 0 : index
      %get3A_32 = vector.load %arg13[%get3A_30, %get3A_31] : memref<10240x1xf32, #tpu.memory_space<vmem>>, vector<512x1xf32>
      %get3A_33 = arith.constant 0 : index
      %get3A_34 = arith.constant 0 : index
      %get3A_35 = vector.load %arg14[%get3A_33, %get3A_34] : memref<1x64xf32, #tpu.memory_space<vmem>>, vector<1x64xf32>
      %mul3A_36 = vector.broadcast %get3A_35 : vector<1x64xf32> to vector<512x64xf32>
      %mul3A_37 = arith.mulf %convert_element_type3A_7, %mul3A_36 : vector<512x64xf32>
      %reduce_sum3A = arith.constant dense<0.000000e+00> : vector<512xf32>
      %reduce_sum3A_38 = vector.multi_reduction <add>, %mul3A_37, %reduce_sum3A [1] : vector<512x64xf32> to vector<512xf32>
      %broadcast_in_dim3A = vector.shape_cast %reduce_sum3A_38 : vector<512xf32> to vector<512x1xf32>
      %sub3A = arith.subf %get3A_32, %broadcast_in_dim3A : vector<512x1xf32>
      %exp3A = math.exp %sub3A : vector<512x1xf32>
      %get3A_39 = arith.constant 0 : index
      %get3A_40 = arith.constant 0 : index
      %get3A_41 = vector.load %arg15[%get3A_39, %get3A_40] : memref<1x64xf32, #tpu.memory_space<vmem>>, vector<1x64xf32>
      %mul3A_42 = vector.broadcast %get3A_41 : vector<1x64xf32> to vector<512x64xf32>
      %mul3A_43 = arith.mulf %convert_element_type3A_7, %mul3A_42 : vector<512x64xf32>
      %reduce_sum3A_44 = arith.constant dense<0.000000e+00> : vector<512xf32>
      %reduce_sum3A_45 = vector.multi_reduction <add>, %mul3A_43, %reduce_sum3A_44 [1] : vector<512x64xf32> to vector<512xf32>
      %broadcast_in_dim3A_46 = vector.shape_cast %reduce_sum3A_45 : vector<512xf32> to vector<512x1xf32>
      %add3A = arith.constant 1.000000e-16 : f32
      %add3A_47 = vector.broadcast %add3A : f32 to vector<512x1xf32>
      %add3A_48 = arith.addf %broadcast_in_dim3A_46, %add3A_47 : vector<512x1xf32>
      %div3A = arith.divf %exp3A, %add3A_48 : vector<512x1xf32>
      %mul3A_49 = vector.broadcast %div3A : vector<512x1xf32> to vector<512x128xf32>
      %mul3A_50 = arith.mulf %mul3A_49, %get3A_1 : vector<512x128xf32>
      %dot_general3A = arith.constant dense<0.000000e+00> : vector<64x128xf32>
      %dot_general3A_51 = tpu.matmul %convert_element_type3A_7, %mul3A_50, %dot_general3A {dimension_numbers = #tpu.dot_dimension_numbers<[0], [0], [1], [1], [0, 1, 1, 1], [], []>, transpose_lhs_hint = false} : vector<512x64xf32>, vector<512x128xf32>, vector<64x128xf32> -> vector<64x128xf32>
      %eq3A_52 = arith.constant 0 : i32
      %eq3A_53 = arith.cmpi eq, %arg1, %eq3A_52 : i32
      %broadcast_in_dim3A_54 = arith.constant 0.000000e+00 : f32
      %broadcast_in_dim3A_55 = vector.broadcast %broadcast_in_dim3A_54 : f32 to vector<64x128xf32>
      %get3A_56 = arith.constant 0 : index
      %get3A_57 = arith.constant 0 : index
      %get3A_58 = vector.load %arg16[%get3A_56, %get3A_57] : memref<64x128xf32, #tpu.memory_space<vmem>>, vector<64x128xf32>
      %select_n3A = arith.select %eq3A_53, %broadcast_in_dim3A_55, %get3A_58 : vector<64x128xf32>
      %add3A_59 = arith.addf %select_n3A, %dot_general3A_51 : vector<64x128xf32>
      %swap3A = arith.constant 0 : index
      %swap3A_60 = arith.constant 0 : index
      %swap3A_61 = vector.load %arg16[%swap3A, %swap3A_60] : memref<64x128xf32, #tpu.memory_space<vmem>>, vector<64x128xf32>
      tpu.vector_store %arg16[%swap3A, %swap3A_60], %add3A_59 {strides = array<i32>} : memref<64x128xf32, #tpu.memory_space<vmem>>, vector<64x128xf32>,
    } else {
    }
    %eq3A_22 = arith.constant 2 : i32
    %eq3A_23 = arith.cmpi eq, %arg0, %eq3A_22 : i32
    %eq3A_24 = arith.constant 19 : i32
    %eq3A_25 = arith.cmpi eq, %arg1, %eq3A_24 : i32
    %and3A = arith.andi %eq3A_23, %eq3A_25 : i1
    %convert_element_type3A_26 = arith.extui %and3A : i1 to i32
    %cond3A_27 = arith.constant 0 : i32
    %cond3A_28 = arith.cmpi ne, %convert_element_type3A_26, %cond3A_27 : i32
    scf.if %cond3A_28 {
      %get3A_29 = arith.constant 0 : index
      %get3A_30 = arith.constant 0 : index
      %get3A_31 = vector.load %arg16[%get3A_29, %get3A_30] : memref<64x128xf32, #tpu.memory_space<vmem>>, vector<64x128xf32>
      %get3A_32 = arith.constant 0 : index
      %get3A_33 = arith.constant 0 : index
      %get3A_34 = vector.load %arg8[%get3A_32, %get3A_33] : memref<128x128xf32, #tpu.memory_space<vmem>>, vector<128x128xf32>
      %dot_general3A = arith.constant dense<0.000000e+00> : vector<64x128xf32>
      %dot_general3A_35 = tpu.matmul %get3A_31, %get3A_34, %dot_general3A {dimension_numbers = #tpu.dot_dimension_numbers<[1], [0], [0], [1], [0, 0, 1, 1], [], []>, transpose_lhs_hint = false} : vector<64x128xf32>, vector<128x128xf32>, vector<64x128xf32> -> vector<64x128xf32>
      %get3A_36 = arith.constant 0 : index
      %get3A_37 = arith.constant 0 : index
      %get3A_38 = vector.load %arg9[%get3A_36, %get3A_37] : memref<1x128xf32, #tpu.memory_space<vmem>>, vector<1x128xf32>
      %add3A = vector.broadcast %get3A_38 : vector<1x128xf32> to vector<64x128xf32>
      %add3A_39 = arith.addf %dot_general3A_35, %add3A : vector<64x128xf32>
      %max3A = arith.constant 0.000000e+00 : f32
      %max3A_40 = vector.broadcast %max3A : f32 to vector<64x128xf32>
      %max3A_41 = arith.maximumf %add3A_39, %max3A_40 : vector<64x128xf32>
      %get3A_42 = arith.constant 0 : index
      %get3A_43 = arith.constant 0 : index
      %get3A_44 = vector.load %arg10[%get3A_42, %get3A_43] : memref<128x2xf32, #tpu.memory_space<vmem>>, vector<128x2xf32>
      %dot_general3A_45 = arith.constant dense<0.000000e+00> : vector<64x2xf32>
      %dot_general3A_46 = tpu.matmul %max3A_41, %get3A_44, %dot_general3A_45 {dimension_numbers = #tpu.dot_dimension_numbers<[1], [0], [0], [1], [0, 0, 1, 1], [], []>, transpose_lhs_hint = false} : vector<64x128xf32>, vector<128x2xf32>, vector<64x2xf32> -> vector<64x2xf32>
      %get3A_47 = arith.constant 0 : index
      %get3A_48 = arith.constant 0 : index
      %get3A_49 = vector.load %arg11[%get3A_47, %get3A_48] : memref<1x2xf32, #tpu.memory_space<vmem>>, vector<1x2xf32>
      %add3A_50 = vector.broadcast %get3A_49 : vector<1x2xf32> to vector<64x2xf32>
      %add3A_51 = arith.addf %dot_general3A_46, %add3A_50 : vector<64x2xf32>
      %swap3A = arith.constant 0 : index
      %swap3A_52 = arith.constant 0 : index
      %swap3A_53 = vector.load %arg12[%swap3A, %swap3A_52] : memref<64x2xf32, #tpu.memory_space<vmem>>, vector<64x2xf32>
      tpu.vector_store %arg12[%swap3A, %swap3A_52], %add3A_51 {strides = array<i32>} : memref<64x2xf32, #tpu.memory_space<vmem>>, vector<64x2xf32>,
    } else {
    }
    return
  }
  func.func @transform_0(%arg0: i32, %arg1: i32) -> (i32, i32) {
    %c0_i32 = arith.constant 0 : i32
    %c0_i32_0 = arith.constant 0 : i32
    return %arg1, %c0_i32 : i32, i32
  }
  func.func @transform_1(%arg0: i32, %arg1: i32) -> (i32, i32) {
    %c0_i32 = arith.constant 0 : i32
    %c0_i32_0 = arith.constant 0 : i32
    return %arg1, %c0_i32 : i32, i32
  }
  func.func @transform_2(%arg0: i32, %arg1: i32) -> (i32, i32) {
    %c0_i32 = arith.constant 0 : i32
    %c0_i32_0 = arith.constant 0 : i32
    %c0_i32_1 = arith.constant 0 : i32
    return %c0_i32, %c0_i32_0 : i32, i32
  }
  func.func @transform_3(%arg0: i32, %arg1: i32) -> (i32, i32) {
    %c0_i32 = arith.constant 0 : i32
    %c0_i32_0 = arith.constant 0 : i32
    %c0_i32_1 = arith.constant 0 : i32
    return %c0_i32, %c0_i32_0 : i32, i32
  }
  func.func @transform_4(%arg0: i32, %arg1: i32) -> (i32, i32) {
    %c0_i32 = arith.constant 0 : i32
    %c0_i32_0 = arith.constant 0 : i32
    %c0_i32_1 = arith.constant 0 : i32
    return %c0_i32, %c0_i32_0 : i32, i32
  }
  func.func @transform_5(%arg0: i32, %arg1: i32) -> (i32, i32) {
    %c0_i32 = arith.constant 0 : i32
    %c0_i32_0 = arith.constant 0 : i32
    %c0_i32_1 = arith.constant 0 : i32
    return %c0_i32, %c0_i32_0 : i32, i32
  }
  func.func @transform_6(%arg0: i32, %arg1: i32) -> (i32, i32) {
    %c0_i32 = arith.constant 0 : i32
    %c0_i32_0 = arith.constant 0 : i32
    %c0_i32_1 = arith.constant 0 : i32
    return %c0_i32, %c0_i32_0 : i32, i32
  }
  func.func @transform_7(%arg0: i32, %arg1: i32) -> (i32, i32) {
    %c0_i32 = arith.constant 0 : i32
    %c0_i32_0 = arith.constant 0 : i32
    %c0_i32_1 = arith.constant 0 : i32
    return %c0_i32, %c0_i32_0 : i32, i32
  }
  func.func @transform_8(%arg0: i32, %arg1: i32) -> (i32, i32) {
    %c0_i32 = arith.constant 0 : i32
    %c0_i32_0 = arith.constant 0 : i32
    %c0_i32_1 = arith.constant 0 : i32
    return %c0_i32, %c0_i32_0 : i32, i32
  }
  func.func @transform_9(%arg0: i32, %arg1: i32) -> (i32, i32) {
    %c0_i32 = arith.constant 0 : i32
    %c0_i32_0 = arith.constant 0 : i32
    %c0_i32_1 = arith.constant 0 : i32
    return %c0_i32, %c0_i32_0 : i32, i32
  }
  func.func @transform_10(%arg0: i32, %arg1: i32) -> (i32, i32) {
    %c0_i32 = arith.constant 0 : i32
    %c0_i32_0 = arith.constant 0 : i32
    %c0_i32_1 = arith.constant 0 : i32
    return %c0_i32, %c0_i32_0 : i32, i32
  }
}

</mosaic_0001>

<sc_bundles>
// kernel: kernel.11.cloned.1.call-start
scs
__scs_entry_jumppad:
0x0: {  	(pc) =	sbr.rel $0x88, $3  }
0x1: {  	(tag) =	ssettag $0x0;
	lr =	simm.s32 $0x1  }
0x2: {  	[smem:$0x3F89] =	sst lr;
	_ =	strace $0xD0000000  }
0x3: {  	_ = 	snop  }
0x4: {  	_ = 	snop  }
0x5: {  	_ = 	snop  }
0x6: {  	_ = 	snop  }
0x7: {  	_ = 	snop  }
__scs_overlays_trampoline_lowered:
0x8: {  	[smem:$0x3F98] =	sst s0  }
0x9: {  	[smem:$0x3F99] =	sst s1  }
0xa: {  	[smem:$0x3F9A] =	sst s2  }
0xb: {  	[smem:$0x3F9B] =	sst s3  }
0xc: {  	[smem:$0x3F9C] =	sst s4  }
0xd: {  	[smem:$0x3F9D] =	sst s5  }
0xe: {  	[smem:$0x3F9E] =	sst s6  }
0xf: {  	[smem:$0x3F9F] =	sst s7  }
0x10: {  	[smem:$0x3FA0] =	sst s8  }
0x11: {  	[smem:$0x3FA1] =	sst s9;
	s0 =	simm.s32 @!p0 $0x0  }
0x12: {  	s1 =	sld [smem:$0x3F87];
	s0 =	simm.s32 @p0 $0x1  }
0x13: {  	[smem:$0x3FA2] =	sst s0;
	s0 =	simm.s32 @!p1 $0x0  }
0x14: {  	s2 =	sld [smem:$0x3F86];
	s0 =	simm.s32 @p1 $0x1  }
0x15: {  	[smem:$0x3FA3] =	sst s0;
	s0 =	simm.s32 @!p2 $0x0  }
0x16: {  	s3 =	sld [smem:$0x3FDB];
	s0 =	simm.s32 @p2 $0x1  }
0x17: {  	s4 =	simm.s32 $0x1BF5;
	[smem:$0x3FA5] =	sst s0  }
0x18: {  	s0 =	sld [smem:$0x3F88];
	_ =	swait.ge [sflag:s4], $0x0  }
0x19: {  	s7 =	sld [smem:$0x3F89]  }
0x1a: {  	s8 =	sadd.s32 $0xFFFFE003, lr  }
0x1b: {  	s9 =	sadd.s32 $0xFFFFFEF7, lr;
	s5 =	simm.s32 $0xFFFFFFFF;
	p2 =	slt.u32 s8, $0xFFFFF086  }
0x1c: {  	p1 =	slt.u32 s9, $0xF7A;
	s5 =	simm.s32 @!p2 $0x0  }
0x1d: {  	s5 =	simm.s32 @p1 $0x1;
	p0 =	seq.s32 s7, s2  }
0x1e: {  	s7 =	smul.u32 @!p0 $0xF7A, s2;
	p2 =	seq.s32 @!p0 s5, $0x0  }
0x1f: {  	s9 =	smul.u32 $0xF7A, s1;
	s8 =	simm.s32 @!p0 $0x1BF5;
	p2 =	por !p2, p0  }
0x20: {  	[sflag:s8] =	ssyncset.s32 @!p0 $0xFFFFF086;
	s6 =	sadd.s32 @!p0 s3, s7;
	s7 =	simm.s32 @!p0 $0x108  }
0x21: {  	s3 =	sadd.s32 s3, s9;
	s6 =	sadd.s32 @!p0 $0x88, s6;
	s7 =	simm.s32 @p2 $0x1082  }
0x22: {  	[simem:s7], [sflag:s8] =	dma.local @!p0 [hbm:s6], $0xF7A  }
0x23: {  	s9 =	sor.u32 $0xD0000000, s2;
	s6 =	simm.s32 $0x108;
	_ =	swait.ge @!p0 [sflag:s8], $0x0  }
0x24: {  	s3 =	sadd.s32 $0x88, s3;
	s6 =	simm.s32 @!p1 $0x1082;
	[sflag:s4] =	ssyncset.s32 $0xFFFFF086  }
0x25: {  	[simem:s6], [sflag:s4] =	dma.local [hbm:s3], $0xF7A  }
0x26: {  	[smem:$0x3F89] =	sst s1;
	(tag) =	ssettag s2;
	_ =	strace s9  }
0x27: {  	s1 =	sld [smem:$0x3F99]  }
0x28: {  	s2 =	sld [smem:$0x3F9A]  }
0x29: {  	s4 =	sld [smem:$0x3F9C]  }
0x2a: {  	p0 =	seq.s32 s5, $0x0;
	s5 =	sld [smem:$0x3F9D]  }
0x2b: {  	s6 =	sld [smem:$0x3F9E]  }
0x2c: {  	s7 =	sld [smem:$0x3F9F]  }
0x2d: {  	s3 =	simm.s32 $0x108;
	s8 =	sld [smem:$0x3FA0]  }
0x2e: {  	s3 =	simm.s32 @!p0 $0x1082;
	s9 =	sld [smem:$0x3FA1]  }
0x2f: {  	lr =	sadd.s32 s0, s3;
	s0 =	sld [smem:$0x3F98]  }
0x30: {  	s3 =	sld [smem:$0x3F9B]  }
0x31: {  	[smem:$0x3FA4] =	sst s10  }
0x32: {  	s10 =	sld [smem:$0x3FA2];
	_ =	sdelay $0x3  }
0x33: {  	p0 =	seq.s32 s10, $0x1;
	s10 =	sld [smem:$0x3FA4];
	_ =	sdelay $0x3  }
0x34: {  	[smem:$0x3FA4] =	sst s10  }
0x35: {  	s10 =	sld [smem:$0x3FA3];
	_ =	sdelay $0x3  }
0x36: {  	p1 =	seq.s32 s10, $0x1;
	s10 =	sld [smem:$0x3FA4];
	_ =	sdelay $0x3  }
0x37: {  	[smem:$0x3FA4] =	sst s10  }
0x38: {  	s10 =	sld [smem:$0x3FA5]  }
0x39: {  	_ = 	snop;
	(pc) =	sbr.ind lr, $3  }
0x3a: {  	_ = 	snop  }
0x3b: {  	_ = 	snop  }
0x3c: {  	p2 =	seq.s32 s10, $0x1;
	s10 =	sld [smem:$0x3FA4]  }
0x3d: {  	_ =	shalt  }
0x3e: {  	_ =	shalt  }
0x3f: {  	_ =	shalt  }
0x40: {  	_ =	shalt  }
0x41: {  	_ =	shalt  }
0x42: {  	_ =	shalt  }
0x43: {  	_ =	shalt  }
0x44: {  	_ =	shalt  }
0x45: {  	_ =	shalt  }
0x46: {  	_ =	shalt  }
0x47: {  	_ =	shalt  }
0x48: {  	_ =	shalt  }
0x49: {  	_ =	shalt  }
0x4a: {  	_ =	shalt  }
0x4b: {  	_ =	shalt  }
0x4c: {  	_ =	shalt  }
0x4d: {  	_ =	shalt  }
0x4e: {  	_ =	shalt  }
0x4f: {  	_ =	shalt  }
0x50: {  	_ =	shalt  }
0x51: {  	_ =	shalt  }
0x52: {  	_ =	shalt  }
0x53: {  	_ =	shalt  }
0x54: {  	_ =	shalt  }
0x55: {  	_ =	shalt  }
0x56: {  	_ =	shalt  }
0x57: {  	_ =	shalt  }
0x58: {  	_ =	shalt  }
0x59: {  	_ =	shalt  }
0x5a: {  	_ =	shalt  }
0x5b: {  	_ =	shalt  }
0x5c: {  	_ =	shalt  }
0x5d: {  	_ =	shalt  }
0x5e: {  	_ =	shalt  }
0x5f: {  	_ =	shalt  }
0x60: {  	_ =	shalt  }
0x61: {  	_ =	shalt  }
0x62: {  	_ =	shalt  }
0x63: {  	_ =	shalt  }
0x64: {  	_ =	shalt  }
0x65: {  	_ =	shalt  }
0x66: {  	_ =	shalt  }
0x67: {  	_ =	shalt  }
0x68: {  	_ =	shalt  }
0x69: {  	_ =	shalt  }
0x6a: {  	_ =	shalt  }
0x6b: {  	_ =	shalt  }
0x6c: {  	_ =	shalt  }
0x6d: {  	_ =	shalt  }
0x6e: {  	_ =	shalt  }
0x6f: {  	_ =	shalt  }
0x70: {  	_ =	shalt  }
0x71: {  	_ =	shalt  }
0x72: {  	_ =	shalt  }
0x73: {  	_ =	shalt  }
0x74: {  	_ =	shalt  }
0x75: {  	_ =	shalt  }
0x76: {  	_ =	shalt  }
0x77: {  	_ =	shalt  }
0x78: {  	_ =	shalt  }
0x79: {  	_ =	shalt  }
0x7a: {  	_ =	shalt  }
0x7b: {  	_ =	shalt  }
0x7c: {  	_ =	shalt  }
0x7d: {  	_ =	shalt  }
0x7e: {  	_ =	shalt  }
0x7f: {  	_ =	shalt  }
0x80: {  	_ =	shalt  }
0x81: {  	_ =	shalt  }
0x82: {  	_ =	shalt  }
0x83: {  	_ =	shalt  }
0x84: {  	_ =	shalt  }
0x85: {  	_ =	shalt  }
0x86: {  	_ =	shalt  }
0x87: {  	_ =	shalt  }
.Lfunc_end0:
.L_simem_size_0:
called_computation.1_lowered:
.L_overlay_start_0:
0x88: {  	s2 =	sld [smem:$0x3FD9]  }
0x89: {  	s3 =	sld [smem:$0x3FFE];
	_ =	sdelay $0x1  }
0x8a: {  	s1 =	srdreg.scid  }
0x8b: {  	s0 =	sand.u32 $0x1, s1  }
0x8c: {  	s16 =	sshll.u32 s0, $0xA;
	s2 =	sadd.s32 s3, s2  }
0x8d: {  	s2 =	sadd.s32 s2, s16  }
0x8e: {  	[smem:$0x3FB0] =	sst s2  }
0x8f: {  	_ = 	snop  }
0x90: {  	(tm) =	ssettm $0x1  }
0x91: {  	s17 =	sld [smem:$0x3FFB];
	_ =	sdelay $0x3  }
0x92: {  	_ =	strace s17  }
0x93: {  	s2 =	sld [smem:$0x3FFC];
	_ =	sdelay $0x3  }
0x94: {  	_ =	strace s2  }
0x95: {  	s2 =	sld [smem:$0x3FFD];
	_ =	sdelay $0x3  }
0x96: {  	_ =	strace s2  }
0x97: {  	_ =	strace $0x8FFFFFFF  }
0x98: {  	s18 =	sld [smem:$0x3FDB];
	_ =	sdelay $0x1  }
0x99: {  	s19 =	simm.s32 $_scs_section_size  }
0x9a: {  	s4 =	simm.s32 $_size__tile_overlayer_lowered;
	s5 =	simm.s32 $_tile_overlayer_lowered  }
0x9b: {  	s22 =	simm.s32 $0x1BFF;
	s21 =	sshll.u32 s5, $0x1;
	s2 =	sadd.s32 s19, s18  }
0x9c: {  	s6 =	simm.s32 $0x0;
	s20 =	sshll.u32 s4, $0x1;
	s4 =	sadd.s32 s21, s2  }
0x9d: {  	[timem:s6], [sflag:s22] =	dma.local [hbm:s4], s20  }
0x9e: {  	_ =	swait.ge [sflag:s22], s20  }
0x9f: {  	s3 =	ssub.s32 $0x0, s20;
	[sflag:s22] =	ssyncset.done $0x0  }
0xa0: {  	[sflag:s22] =	ssyncadd.s32 s3;
	_ =	sdelay $0x1  }
0xa1: {  	s23 =	simm.s32 $0x1B8B  }
0xa2: {  	_ =	swait.ge [sflag:s23], $0x1  }
0xa3: {  	[sflag:s23] =	ssyncset.done $0x0  }
0xa4: {  	s25 =	simm.s32 $0x1B8E;
	s24 =	sld [smem:$0x3FFE];
	[sflag:s23] =	ssyncadd.s32 $0xFFFFFFFF  }
0xa5: {  	s26 =	simm.s32 $execute0_lowered;
	[smem:$0x3FD2] =	sst s25  }
0xa6: {  	s4 =	sshll.u32 s26, $0x1;
	_ =	strace $0x80000049;
	[dreg:$0x1] =	wrdreg $0xFFFFFFFF  }
0xa7: {  	s28 =	simm.s32 $_size_execute0_lowered;
	s2 =	sadd.s32 s2, s4;
	[dreg:$0x0] =	wrdreg $0x0  }
0xa8: {  	s4 =	sshll.u32 s28, $0x1;
	[dreg:$0x2] =	wrdreg s2  }
0xa9: {  	[dreg:$0x3] =	wrdreg s4  }
0xaa: {  	[dreg:$0x4] =	wrdreg $0xC0  }
0xab: {  	_ =	task [dreg:s6], $0x5FFFF  }
0xac: {  	[dreg:$0x1] =	wrdreg $0xFFFFFFFF  }
0xad: {  	[dreg:$0x0] =	wrdreg $0x60  }
0xae: {  	[dreg:$0x2] =	wrdreg s24  }
0xaf: {  	[dreg:$0x3] =	wrdreg $0x82000  }
0xb0: {  	[dreg:$0x4] =	wrdreg $0x9  }
0xb1: {  	_ =	task.clear_ibuf [dreg:s6], $0x5FFFF;
	_ =	strace $0x90000049  }
0xb2: {  	s29 =	simm.s32 $0x9;
	_ =	strace $0x8000004B  }
0xb3: {  	_ =	swait.ge [sflag:s29], $0x1  }
0xb4: {  	[sflag:s29] =	ssyncadd.s32 $0xFFFFFFFF  }
0xb5: {  	_ =	strace $0x9000004B  }
0xb6: {  	_ =	sfence  }
0xb7: {  	s30 =	sld [smem:$0x0];
	_ =	sdelay $0x2  }
0xb8: {  	s31 =	sshll.u32 s1, $0xD;
	s1 =	sshrl.u32 s1, $0x2  }
0xb9: {  	s3 =	sand.u32 $0x4000, s31;
	s1 =	sadd.s32 s1, s30  }
0xba: {  	s0 =	sor.u32 s3, s0;
	s1 =	sshll.u32 s1, $0x11  }
0xbb: {  	s0 =	sor.u32 s1, s0  }
0xbc: {  	s0 =	sadd.s32 $0x8F2B, s0  }
0xbd: {  	[sflag:s0] =	ssyncadd.remote.s32 $0x1  }
0xbe: {  	_ =	sfence.sel $0xFFFF  }
0xbf: {  	[dreg:$0x0] =	wrdreg $0xFFFFFFFF;
	(pc) =	sbr.abs _section_cstart, $3  }
0xc0: {  	[dreg:$0x1] =	wrdreg $0xFFFFFFFF  }
0xc1: {  	_ =	task.clear_ibuf [dreg:s6], $0x2FFFF;
	_ =	strace $0x9FFFFFFF  }
0xc2: {  	(tm) =	ssettm $0x7FFFFFFF  }
0xc3: {  	_ =	shalt  }
tec
execute0_lowered:
.L_overlay_start_1:
0x0: {  	(tag) =	ssettag $0x1  }
0x1: {  	s0 =	rddreg [dreg:$0x0]  }
0x2: {  	s1 =	rddreg [dreg:$0x1]  }
0x3: {  	s2 =	simm.s32 $0x0;
	s3 =	srdreg.scid;
	s6 =	stileid.u32  }
0x4: {  	s20 =	simm.s32 $0x200;
	s21 =	simm.s32 $0x3;
	s22 =	simm.s32 $0x80  }
0x5: {  	s23 =	simm.s32 $0x4200;
	s28 =	simm.s32 $0x2;
	s29 =	simm.s32 $0x0  }
0x6: {  	[smem:$0x7FF] =	sst s2;
	s4 =	sadd.s32 $0x17A00, s0;
	s7 =	smul.u32 $0x2800, s6  }
0x7: {  	s5 =	sadd.s32 $0x3E00, s0;
	s19 =	sadd.s32 $0xDC00, s0;
	s11 =	smul.u32 $0x50000, s6  }
0x8: {  	s3 =	sand.u32 $0x1, s3;
	s8 =	sadd.s32 $0x3FA00, s0;
	s14 =	smul.u32 $0x4F00, s6  }
0x9: {  	s9 =	sshll.u32 s6, $0x1;
	_ =	strace $0x8000004A;
	s24 =	smul.u32 $0x28000, s3  }
0xa: {  	s10 =	ssub.s32 $0x2, s3;
	s9 =	sor.u32 s3, s9;
	s3 =	smul.u32 $0x2780, s3  }
0xb: {  	[dreg:$0x3] =	wrdreg s8;
	s25 =	sshrl.u32 s10, $0x1;
	s9 =	smul.u32 $0x2780, s9  }
0xc: {  	s26 =	sshrl.u32 s11, $0x2;
	s7 =	sadd.s32 s7, s24;
	s12 =	ssub.s32 s10, s25  }
0xd: {  	s31 =	sadd.s32 s3, s14;
	s24 =	simm.s32 $0x100;
	s25 =	simm.s32 $0x1  }
0xe: {  	s0 =	sadd.s32 s7, s0;
	s7 =	sadd.s32 s26, s1;
	s9 =	sshrl.u32 s9, $0x3  }
0xf: {  	s11 =	smax.u32 s12, $0x1;
	s3 =	sadd.s32 $0x80, s31;
	s16 =	sadd.s32 $0x100, s31  }
0x10: {  	s26 =	simm.s32 $0x180;
	s30 =	sadd.s32 s5, s9;
	s9 =	sadd.s32 s19, s9  }
0x11: {  	s10 =	sadd.s32 $0x40200, s0;
	s12 =	sadd.s32 $0x4000, s7;
	s13 =	sadd.s32 $0x8000, s7  }
0x12: {  	s14 =	sadd.s32 $0xC000, s7;
	s15 =	sadd.s32 $0x10000, s7;
	s3 =	sshrl.u32 s3, $0x3  }
0x13: {  	s0 =	sshrl.u32 s31, $0x3;
	[dreg:$0x4] =	wrdreg s30;
	s9 =	sadd.s32 $0x4E0, s9  }
0x14: {  	s17 =	sadd.s32 s3, s19;
	s18 =	sadd.s32 s3, s5;
	s19 =	sadd.s32 s0, s19  }
.LBB2_1:
0x15: {  	s0 =	rddreg [dreg:$0x3]  }
0x16: {  	[tilespmem:s20], [sflag:$0x3] =	stream.linear.gather [hbm4b:s0+s2], $0x4000, $0x38;
	[tilespmem:$0x1C200] =	vst v63  }
0x17: {  	_ =	swait.ge [sflag:s21], $0x4000  }
0x18: {  	[sflag:s21] =	ssyncset.done $0x0  }
0x19: {  	[sflag:s21] =	ssyncadd.s32 $0xFFFFC000  }
0x1a: {  	[spmem:s7] =	stream.linear.scatter [tilespmem:s20], [sflag:$0x3], $0x4000, $0x38;
	[tilespmem:$0x1C200] =	vst v63  }
0x1b: {  	_ =	swait.ge [sflag:s21], $0x4000  }
0x1c: {  	[sflag:s21] =	ssyncset.done $0x0  }
0x1d: {  	[sflag:s21] =	ssyncadd.s32 $0xFFFFC000  }
0x1e: {  	[spmem:s12] =	stream.linear.scatter [tilespmem:s20], [sflag:$0x3], $0x4000, $0x38;
	[tilespmem:$0x1C200] =	vst v63  }
0x1f: {  	_ =	swait.ge [sflag:s21], $0x4000  }
0x20: {  	[sflag:s21] =	ssyncset.done $0x0  }
0x21: {  	[sflag:s21] =	ssyncadd.s32 $0xFFFFC000  }
0x22: {  	[spmem:s13] =	stream.linear.scatter [tilespmem:s20], [sflag:$0x3], $0x4000, $0x38;
	[tilespmem:$0x1C200] =	vst v63  }
0x23: {  	_ =	swait.ge [sflag:s21], $0x4000  }
0x24: {  	[sflag:s21] =	ssyncset.done $0x0  }
0x25: {  	[sflag:s21] =	ssyncadd.s32 $0xFFFFC000  }
0x26: {  	[spmem:s14] =	stream.linear.scatter [tilespmem:s20], [sflag:$0x3], $0x4000, $0x38;
	[tilespmem:$0x1C200] =	vst v63  }
0x27: {  	_ =	swait.ge [sflag:s21], $0x4000  }
0x28: {  	[sflag:s21] =	ssyncset.done $0x0  }
0x29: {  	[sflag:s21] =	ssyncadd.s32 $0xFFFFC000  }
0x2a: {  	[spmem:s15] =	stream.linear.scatter [tilespmem:s20], [sflag:$0x3], $0x4000, $0x38;
	[tilespmem:$0x1C200] =	vst v63  }
0x2b: {  	_ =	swait.ge [sflag:s21], $0x4000  }
0x2c: {  	[sflag:s21] =	ssyncset.done $0x0  }
0x2d: {  	s6 =	rddreg [dreg:$0x4];
	[sflag:s21] =	ssyncadd.s32 $0xFFFFC000  }
0x2e: {  	[tilespmem:s2], [sflag:$0x3] =	stream.linear.gather [hbm4b:s6+s2], $0x80, $0x38;
	[tilespmem:$0x1C200] =	vst v63  }
0x2f: {  	_ =	swait.ge [sflag:s21], $0x80  }
0x30: {  	[sflag:s21] =	ssyncset.done $0x0  }
0x31: {  	[sflag:s21] =	ssyncadd.s32 $0xFFFFFF80  }
0x32: {  	[tilespmem:s20], [sflag:$0x1] =	stream.indirect.gather [hbm4b:s4+s22], $0x80, s2, s22, $0xb8;
	[tilespmem:$0x1C200] =	vst v63  }
0x33: {  	s8 =	sadd.s32 $0x0, s18;
	[bflag:$0x0] =	sbarrier.arrive $0xFFFF  }
0x34: {  	[tilespmem:s22], [sflag:$0x3] =	stream.linear.gather [hbm4b:s8+s2], $0x80, $0x38;
	[tilespmem:$0x1C200] =	vst v63  }
0x35: {  	_ =	swait.ge [sflag:s21], $0x80  }
0x36: {  	[sflag:s21] =	ssyncset.done $0x0  }
0x37: {  	[sflag:s21] =	ssyncadd.s32 $0xFFFFFF80  }
0x38: {  	[tilespmem:s23], [sflag:$0x2] =	stream.indirect.gather [hbm4b:s4+s22], $0x80, s22, s22, $0xb8;
	[tilespmem:$0x1C200] =	vst v63  }
0x39: {  	s3 =	sadd.s32 $0x0, s19  }
0x3a: {  	[tilespmem:s24], [sflag:$0x3] =	stream.linear.gather [hbm4b:s3+s2], $0x80, $0x38;
	[tilespmem:$0x1C200] =	vst v63  }
0x3b: {  	_ =	swait.ge [sflag:s21], $0x80  }
0x3c: {  	[sflag:s21] =	ssyncset.done $0x0  }
0x3d: {  	[sflag:s21] =	ssyncadd.s32 $0xFFFFFF80  }
0x3e: {  	_ =	swait.ge [sflag:s25], $0x4000  }
0x3f: {  	[sflag:s25] =	ssyncset.done $0x0  }
0x40: {  	[sflag:s25] =	ssyncadd.s32 $0xFFFFC000  }
0x41: {  	[spmem:s1] =	stream.indirect.scatter.add.f32 [tilespmem:s20], [sflag:$0x3], $0x80, s24, s22, $0xb8;
	[tilespmem:$0x1C200] =	vst v63  }
0x42: {  	_ =	swait.ge [sflag:s21], $0x4000  }
0x43: {  	s6 =	sshrl.u32 s16, $0x3;
	[sflag:s21] =	ssyncset.done $0x0  }
0x44: {  	s0 =	sadd.s32 s5, s6;
	[sflag:s21] =	ssyncadd.s32 $0xFFFFC000  }
0x45: {  	[tilespmem:s2], [sflag:$0x3] =	stream.linear.gather [hbm4b:s0+s2], $0x80, $0x38;
	[tilespmem:$0x1C200] =	vst v63  }
0x46: {  	_ =	swait.ge [sflag:s21], $0x80  }
0x47: {  	[sflag:s21] =	ssyncset.done $0x0  }
0x48: {  	[sflag:s21] =	ssyncadd.s32 $0xFFFFFF80  }
0x49: {  	[tilespmem:s20], [sflag:$0x1] =	stream.indirect.gather [hbm4b:s4+s22], $0x80, s2, s22, $0xb8;
	[tilespmem:$0x1C200] =	vst v63  }
0x4a: {  	s8 =	sadd.s32 $0x0, s17  }
0x4b: {  	[tilespmem:s26], [sflag:$0x3] =	stream.linear.gather [hbm4b:s8+s2], $0x80, $0x38;
	[tilespmem:$0x1C200] =	vst v63  }
0x4c: {  	_ =	swait.ge [sflag:s21], $0x80  }
0x4d: {  	[sflag:s21] =	ssyncset.done $0x0  }
0x4e: {  	[sflag:s21] =	ssyncadd.s32 $0xFFFFFF80  }
0x4f: {  	_ =	swait.ge [sflag:s28], $0x4000  }
0x50: {  	[sflag:s28] =	ssyncset.done $0x0  }
0x51: {  	[sflag:s28] =	ssyncadd.s32 $0xFFFFC000  }
0x52: {  	[spmem:s1] =	stream.indirect.scatter.add.f32 [tilespmem:s23], [sflag:$0x3], $0x80, s26, s22, $0xb8;
	[tilespmem:$0x1C200] =	vst v63  }
0x53: {  	s30 =	simm.s32 $0x20;
	_ =	swait.ge [sflag:s21], $0x4000  }
0x54: {  	s31 =	sadd.s32 $0x100, s16;
	s0 =	simm.s32 $0x40;
	[sflag:s21] =	ssyncset.done $0x0  }
.LBB2_2:
0x55: {  	s6 =	sadd.s32 s30, s18  }
0x56: {  	[sflag:s21] =	ssyncadd.s32 $0xFFFFC000;
	s8 =	smov.u32 s0;
	s3 =	sadd.s32 $0x20, s0  }
0x57: {  	[tilespmem:s22], [sflag:$0x3] =	stream.linear.gather [hbm4b:s6+s2], $0x80, $0x38;
	[tilespmem:$0x1C200] =	vst v63  }
0x58: {  	p0 =	sne.s32 s0, $0x4C0;
	_ =	swait.ge [sflag:s21], $0x80  }
0x59: {  	[sflag:s21] =	ssyncset.done $0x0  }
0x5a: {  	[sflag:s21] =	ssyncadd.s32 $0xFFFFFF80  }
0x5b: {  	[tilespmem:s23], [sflag:$0x2] =	stream.indirect.gather [hbm4b:s4+s22], $0x80, s22, s22, $0xb8;
	[tilespmem:$0x1C200] =	vst v63  }
0x5c: {  	s0 =	sadd.s32 s30, s19  }
0x5d: {  	[tilespmem:s24], [sflag:$0x3] =	stream.linear.gather [hbm4b:s0+s2], $0x80, $0x38;
	[tilespmem:$0x1C200] =	vst v63  }
0x5e: {  	_ =	swait.ge [sflag:s21], $0x80  }
0x5f: {  	[sflag:s21] =	ssyncset.done $0x0  }
0x60: {  	[sflag:s21] =	ssyncadd.s32 $0xFFFFFF80  }
0x61: {  	_ =	swait.ge [sflag:s25], $0x4000  }
0x62: {  	[sflag:s25] =	ssyncset.done $0x0  }
0x63: {  	[sflag:s25] =	ssyncadd.s32 $0xFFFFC000  }
0x64: {  	[spmem:s1] =	stream.indirect.scatter.add.f32 [tilespmem:s20], [sflag:$0x3], $0x80, s24, s22, $0xb8;
	[tilespmem:$0x1C200] =	vst v63  }
0x65: {  	_ =	swait.ge [sflag:s21], $0x4000  }
0x66: {  	s0 =	sshrl.u32 s31, $0x3;
	[sflag:s21] =	ssyncset.done $0x0  }
0x67: {  	s0 =	sadd.s32 s5, s0;
	[sflag:s21] =	ssyncadd.s32 $0xFFFFC000  }
0x68: {  	[tilespmem:s2], [sflag:$0x3] =	stream.linear.gather [hbm4b:s0+s2], $0x80, $0x38;
	[tilespmem:$0x1C200] =	vst v63  }
0x69: {  	_ =	swait.ge [sflag:s21], $0x80  }
0x6a: {  	[sflag:s21] =	ssyncset.done $0x0  }
0x6b: {  	[sflag:s21] =	ssyncadd.s32 $0xFFFFFF80  }
0x6c: {  	[tilespmem:s20], [sflag:$0x1] =	stream.indirect.gather [hbm4b:s4+s22], $0x80, s2, s22, $0xb8;
	[tilespmem:$0x1C200] =	vst v63  }
0x6d: {  	s0 =	sadd.s32 s30, s17;
	s30 =	smov.u32 s8  }
0x6e: {  	[tilespmem:s26], [sflag:$0x3] =	stream.linear.gather [hbm4b:s0+s2], $0x80, $0x38;
	[tilespmem:$0x1C200] =	vst v63  }
0x6f: {  	_ =	swait.ge [sflag:s21], $0x80  }
0x70: {  	[sflag:s21] =	ssyncset.done $0x0  }
0x71: {  	[sflag:s21] =	ssyncadd.s32 $0xFFFFFF80  }
0x72: {  	_ =	swait.ge [sflag:s28], $0x4000  }
.Ltmp0:
0x73: {  	[sflag:s28] =	ssyncset.done $0x0;
	(pc) =	sbr.rel @p0 .LBB2_2-.Ltmp0, $4  }
0x74: {  	[sflag:s28] =	ssyncadd.s32 $0xFFFFC000  }
0x75: {  	[spmem:s1] =	stream.indirect.scatter.add.f32 [tilespmem:s23], [sflag:$0x3], $0x80, s26, s22, $0xb8;
	[tilespmem:$0x1C200] =	vst v63  }
0x76: {  	_ =	swait.ge [sflag:s21], $0x4000  }
0x77: {  	s31 =	sadd.s32 $0x100, s31;
	s0 =	smov.u32 s3;
	[sflag:s21] =	ssyncset.done $0x0  }
0x78: {  	s0 =	sadd.s32 s30, s18;
	[sflag:s21] =	ssyncadd.s32 $0xFFFFC000  }
0x79: {  	[tilespmem:s22], [sflag:$0x3] =	stream.linear.gather [hbm4b:s0+s2], $0x80, $0x38;
	[tilespmem:$0x1C200] =	vst v63  }
0x7a: {  	_ =	swait.ge [sflag:s21], $0x80  }
0x7b: {  	[sflag:s21] =	ssyncset.done $0x0  }
0x7c: {  	[sflag:s21] =	ssyncadd.s32 $0xFFFFFF80  }
0x7d: {  	[tilespmem:s23], [sflag:$0x2] =	stream.indirect.gather [hbm4b:s4+s22], $0x80, s22, s22, $0xb8;
	[tilespmem:$0x1C200] =	vst v63  }
0x7e: {  	s6 =	sadd.s32 s30, s19  }
0x7f: {  	[tilespmem:s24], [sflag:$0x3] =	stream.linear.gather [hbm4b:s6+s2], $0x80, $0x38;
	[tilespmem:$0x1C200] =	vst v63  }
0x80: {  	_ =	swait.ge [sflag:s21], $0x80  }
0x81: {  	[sflag:s21] =	ssyncset.done $0x0  }
0x82: {  	[sflag:s21] =	ssyncadd.s32 $0xFFFFFF80  }
0x83: {  	_ =	swait.ge [sflag:s25], $0x4000  }
0x84: {  	[sflag:s25] =	ssyncset.done $0x0  }
0x85: {  	[sflag:s25] =	ssyncadd.s32 $0xFFFFC000  }
0x86: {  	[spmem:s1] =	stream.indirect.scatter.add.f32 [tilespmem:s20], [sflag:$0x3], $0x80, s24, s22, $0xb8;
	[tilespmem:$0x1C200] =	vst v63  }
0x87: {  	_ =	swait.ge [sflag:s21], $0x4000  }
0x88: {  	s8 =	sshrl.u32 s31, $0x3;
	[sflag:s21] =	ssyncset.done $0x0  }
0x89: {  	s0 =	sadd.s32 s5, s8;
	[sflag:s21] =	ssyncadd.s32 $0xFFFFC000  }
0x8a: {  	[tilespmem:s2], [sflag:$0x3] =	stream.linear.gather [hbm4b:s0+s2], $0x80, $0x38;
	[tilespmem:$0x1C200] =	vst v63  }
0x8b: {  	_ =	swait.ge [sflag:s21], $0x80  }
0x8c: {  	[sflag:s21] =	ssyncset.done $0x0  }
0x8d: {  	[sflag:s21] =	ssyncadd.s32 $0xFFFFFF80  }
0x8e: {  	[tilespmem:s20], [sflag:$0x1] =	stream.indirect.gather [hbm4b:s4+s22], $0x80, s2, s22, $0xb8;
	[tilespmem:$0x1C200] =	vst v63  }
0x8f: {  	s30 =	sadd.s32 s30, s17  }
0x90: {  	[tilespmem:s26], [sflag:$0x3] =	stream.linear.gather [hbm4b:s30+s2], $0x80, $0x38;
	[tilespmem:$0x1C200] =	vst v63  }
0x91: {  	_ =	swait.ge [sflag:s21], $0x80  }
0x92: {  	[sflag:s21] =	ssyncset.done $0x0  }
0x93: {  	[sflag:s21] =	ssyncadd.s32 $0xFFFFFF80  }
0x94: {  	_ =	swait.ge [sflag:s28], $0x4000  }
0x95: {  	[sflag:s28] =	ssyncset.done $0x0  }
0x96: {  	[sflag:s28] =	ssyncadd.s32 $0xFFFFC000  }
0x97: {  	[spmem:s1] =	stream.indirect.scatter.add.f32 [tilespmem:s23], [sflag:$0x3], $0x80, s26, s22, $0xb8;
	[tilespmem:$0x1C200] =	vst v63  }
0x98: {  	_ =	swait.ge [sflag:s21], $0x4000  }
0x99: {  	[sflag:s21] =	ssyncset.done $0x0  }
0x9a: {  	[sflag:s21] =	ssyncadd.s32 $0xFFFFC000  }
0x9b: {  	[tilespmem:s24], [sflag:$0x3] =	stream.linear.gather [hbm4b:s9+s2], $0x80, $0x38;
	[tilespmem:$0x1C200] =	vst v63  }
0x9c: {  	_ =	swait.ge [sflag:s21], $0x80  }
0x9d: {  	[sflag:s21] =	ssyncset.done $0x0  }
0x9e: {  	[sflag:s21] =	ssyncadd.s32 $0xFFFFFF80  }
0x9f: {  	_ =	swait.ge [sflag:s25], $0x4000  }
0xa0: {  	[sflag:s25] =	ssyncset.done $0x0  }
0xa1: {  	[sflag:s25] =	ssyncadd.s32 $0xFFFFC000  }
0xa2: {  	[spmem:s1] =	stream.indirect.scatter.add.f32 [tilespmem:s20], [sflag:$0x3], $0x80, s24, s22, $0xb8;
	[tilespmem:$0x1C200] =	vst v63  }
0xa3: {  	s31 =	stileid.u32;
	_ =	swait.ge [sflag:s21], $0x4000  }
0xa4: {  	s3 =	sshrl.u32 s7, $0x3;
	s29 =	sadd.s32 $0x1, s29;
	[sflag:s21] =	ssyncset.done $0x0  }
0xa5: {  	p0 =	sne.s32 s29, s11;
	s0 =	sshll.u32 s31, $0x6;
	[sflag:s21] =	ssyncadd.s32 $0xFFFFC000  }
.Ltmp1:
0xa6: {  	s0 =	sor.u32 $0x1C03, s0;
	[bflag:$0x0] =	sbarrier.arrive $0xFFFF;
	(pc) =	sbr.rel @p0 .LBB2_1-.Ltmp1, $4  }
0xa7: {  	[hbm:s10], [sflag:s0] =	dma.local [spmem:s3], $0x2800  }
0xa8: {  	_ =	swait.ge [sflag:s21], $0x2800  }
0xa9: {  	[sflag:s21] =	ssyncset.done $0x0  }
0xaa: {  	[sflag:s21] =	ssyncadd.s32 $0xFFFFD800  }
0xab: {  	_ =	sfence.sel $0x180000  }
0xac: {  	[bflag:$0x0] =	sbarrier.arrive $0xFFFF  }
0xad: {  	_ =	strace $0x9000004A  }
0xae: {  	s0 =	stileid.u32;
	[bflag:$0x2] =	sbarrier.arrive $0xFFFF  }
0xaf: {  	p0 =	sne.s32 s0, $0x0;
	s0 =	rddreg [dreg:$0x2]  }
0xb0: {  	s0 =	sadd.s32 @!p0 $0x100000, s0  }
0xb1: {  	[sflag:s0] =	ssyncadd.tile.s32 @!p0 $0x1;
	_ =	shalt  }
.Lfunc_end2:
_tile_overlayer_lowered:
.L_overlay_start_2:
0xb2: {  	(tag) =	ssettag $0x2  }
0xb3: {  	s0 =	rddreg [dreg:$0x0];
	s2 =	stileid.u32  }
0xb4: {  	s1 =	rddreg [dreg:$0x1];
	p0 =	sne.s32 s2, $0x0  }
0xb5: {  	s3 =	rddreg [dreg:$0x2];
	[bflag:$0x3] =	sbarrier.arrive $0xFFFF;
	s2 =	simm.s32 @!p0 $0x1C03  }
0xb6: {  	[timem:s3], [sflag:s2] =	dma.local @!p0 [hbm:s0], s1  }
0xb7: {  	s0 =	simm.s32 @!p0 $0x3  }
0xb8: {  	_ =	swait.ge @!p0 [sflag:s0], s1  }
0xb9: {  	s1 =	ssub.s32 @!p0 $0x0, s1;
	[sflag:s0] =	ssyncset.done @!p0 $0x0  }
0xba: {  	[sflag:s0] =	ssyncadd.s32 @!p0 s1  }
0xbb: {  	[bflag:$0x3] =	sbarrier.arrive $0xFFFF  }
0xbc: {  	_ =	shalt  }

// kernel: kernel.8.cloned.1.call-start
scs
__scs_entry_jumppad:
0x0: {  	(pc) =	sbr.rel $0x88, $3  }
0x1: {  	(tag) =	ssettag $0x0;
	lr =	simm.s32 $0x1  }
0x2: {  	[smem:$0x3F89] =	sst lr;
	_ =	strace $0xD0000000  }
0x3: {  	_ = 	snop  }
0x4: {  	_ = 	snop  }
0x5: {  	_ = 	snop  }
0x6: {  	_ = 	snop  }
0x7: {  	_ = 	snop  }
__scs_overlays_trampoline_lowered:
0x8: {  	[smem:$0x3F98] =	sst s0  }
0x9: {  	[smem:$0x3F99] =	sst s1  }
0xa: {  	[smem:$0x3F9A] =	sst s2  }
0xb: {  	[smem:$0x3F9B] =	sst s3  }
0xc: {  	[smem:$0x3F9C] =	sst s4  }
0xd: {  	[smem:$0x3F9D] =	sst s5  }
0xe: {  	[smem:$0x3F9E] =	sst s6  }
0xf: {  	[smem:$0x3F9F] =	sst s7  }
0x10: {  	[smem:$0x3FA0] =	sst s8  }
0x11: {  	[smem:$0x3FA1] =	sst s9;
	s0 =	simm.s32 @!p0 $0x0  }
0x12: {  	s1 =	sld [smem:$0x3F87];
	s0 =	simm.s32 @p0 $0x1  }
0x13: {  	[smem:$0x3FA2] =	sst s0;
	s0 =	simm.s32 @!p1 $0x0  }
0x14: {  	s2 =	sld [smem:$0x3F86];
	s0 =	simm.s32 @p1 $0x1  }
0x15: {  	[smem:$0x3FA3] =	sst s0;
	s0 =	simm.s32 @!p2 $0x0  }
0x16: {  	s3 =	sld [smem:$0x3FDB];
	s0 =	simm.s32 @p2 $0x1  }
0x17: {  	s4 =	simm.s32 $0x1BF5;
	[smem:$0x3FA5] =	sst s0  }
0x18: {  	s0 =	sld [smem:$0x3F88];
	_ =	swait.ge [sflag:s4], $0x0  }
0x19: {  	s7 =	sld [smem:$0x3F89]  }
0x1a: {  	s8 =	sadd.s32 $0xFFFFE003, lr  }
0x1b: {  	s9 =	sadd.s32 $0xFFFFFEF7, lr;
	s5 =	simm.s32 $0xFFFFFFFF;
	p2 =	slt.u32 s8, $0xFFFFF086  }
0x1c: {  	p1 =	slt.u32 s9, $0xF7A;
	s5 =	simm.s32 @!p2 $0x0  }
0x1d: {  	s5 =	simm.s32 @p1 $0x1;
	p0 =	seq.s32 s7, s2  }
0x1e: {  	s7 =	smul.u32 @!p0 $0xF7A, s2;
	p2 =	seq.s32 @!p0 s5, $0x0  }
0x1f: {  	s9 =	smul.u32 $0xF7A, s1;
	s8 =	simm.s32 @!p0 $0x1BF5;
	p2 =	por !p2, p0  }
0x20: {  	[sflag:s8] =	ssyncset.s32 @!p0 $0xFFFFF086;
	s6 =	sadd.s32 @!p0 s3, s7;
	s7 =	simm.s32 @!p0 $0x108  }
0x21: {  	s3 =	sadd.s32 s3, s9;
	s6 =	sadd.s32 @!p0 $0x88, s6;
	s7 =	simm.s32 @p2 $0x1082  }
0x22: {  	[simem:s7], [sflag:s8] =	dma.local @!p0 [hbm:s6], $0xF7A  }
0x23: {  	s9 =	sor.u32 $0xD0000000, s2;
	s6 =	simm.s32 $0x108;
	_ =	swait.ge @!p0 [sflag:s8], $0x0  }
0x24: {  	s3 =	sadd.s32 $0x88, s3;
	s6 =	simm.s32 @!p1 $0x1082;
	[sflag:s4] =	ssyncset.s32 $0xFFFFF086  }
0x25: {  	[simem:s6], [sflag:s4] =	dma.local [hbm:s3], $0xF7A  }
0x26: {  	[smem:$0x3F89] =	sst s1;
	(tag) =	ssettag s2;
	_ =	strace s9  }
0x27: {  	s1 =	sld [smem:$0x3F99]  }
0x28: {  	s2 =	sld [smem:$0x3F9A]  }
0x29: {  	s4 =	sld [smem:$0x3F9C]  }
0x2a: {  	p0 =	seq.s32 s5, $0x0;
	s5 =	sld [smem:$0x3F9D]  }
0x2b: {  	s6 =	sld [smem:$0x3F9E]  }
0x2c: {  	s7 =	sld [smem:$0x3F9F]  }
0x2d: {  	s3 =	simm.s32 $0x108;
	s8 =	sld [smem:$0x3FA0]  }
0x2e: {  	s3 =	simm.s32 @!p0 $0x1082;
	s9 =	sld [smem:$0x3FA1]  }
0x2f: {  	lr =	sadd.s32 s0, s3;
	s0 =	sld [smem:$0x3F98]  }
0x30: {  	s3 =	sld [smem:$0x3F9B]  }
0x31: {  	[smem:$0x3FA4] =	sst s10  }
0x32: {  	s10 =	sld [smem:$0x3FA2];
	_ =	sdelay $0x3  }
0x33: {  	p0 =	seq.s32 s10, $0x1;
	s10 =	sld [smem:$0x3FA4];
	_ =	sdelay $0x3  }
0x34: {  	[smem:$0x3FA4] =	sst s10  }
0x35: {  	s10 =	sld [smem:$0x3FA3];
	_ =	sdelay $0x3  }
0x36: {  	p1 =	seq.s32 s10, $0x1;
	s10 =	sld [smem:$0x3FA4];
	_ =	sdelay $0x3  }
0x37: {  	[smem:$0x3FA4] =	sst s10  }
0x38: {  	s10 =	sld [smem:$0x3FA5]  }
0x39: {  	_ = 	snop;
	(pc) =	sbr.ind lr, $3  }
0x3a: {  	_ = 	snop  }
0x3b: {  	_ = 	snop  }
0x3c: {  	p2 =	seq.s32 s10, $0x1;
	s10 =	sld [smem:$0x3FA4]  }
0x3d: {  	_ =	shalt  }
0x3e: {  	_ =	shalt  }
0x3f: {  	_ =	shalt  }
0x40: {  	_ =	shalt  }
0x41: {  	_ =	shalt  }
0x42: {  	_ =	shalt  }
0x43: {  	_ =	shalt  }
0x44: {  	_ =	shalt  }
0x45: {  	_ =	shalt  }
0x46: {  	_ =	shalt  }
0x47: {  	_ =	shalt  }
0x48: {  	_ =	shalt  }
0x49: {  	_ =	shalt  }
0x4a: {  	_ =	shalt  }
0x4b: {  	_ =	shalt  }
0x4c: {  	_ =	shalt  }
0x4d: {  	_ =	shalt  }
0x4e: {  	_ =	shalt  }
0x4f: {  	_ =	shalt  }
0x50: {  	_ =	shalt  }
0x51: {  	_ =	shalt  }
0x52: {  	_ =	shalt  }
0x53: {  	_ =	shalt  }
0x54: {  	_ =	shalt  }
0x55: {  	_ =	shalt  }
0x56: {  	_ =	shalt  }
0x57: {  	_ =	shalt  }
0x58: {  	_ =	shalt  }
0x59: {  	_ =	shalt  }
0x5a: {  	_ =	shalt  }
0x5b: {  	_ =	shalt  }
0x5c: {  	_ =	shalt  }
0x5d: {  	_ =	shalt  }
0x5e: {  	_ =	shalt  }
0x5f: {  	_ =	shalt  }
0x60: {  	_ =	shalt  }
0x61: {  	_ =	shalt  }
0x62: {  	_ =	shalt  }
0x63: {  	_ =	shalt  }
0x64: {  	_ =	shalt  }
0x65: {  	_ =	shalt  }
0x66: {  	_ =	shalt  }
0x67: {  	_ =	shalt  }
0x68: {  	_ =	shalt  }
0x69: {  	_ =	shalt  }
0x6a: {  	_ =	shalt  }
0x6b: {  	_ =	shalt  }
0x6c: {  	_ =	shalt  }
0x6d: {  	_ =	shalt  }
0x6e: {  	_ =	shalt  }
0x6f: {  	_ =	shalt  }
0x70: {  	_ =	shalt  }
0x71: {  	_ =	shalt  }
0x72: {  	_ =	shalt  }
0x73: {  	_ =	shalt  }
0x74: {  	_ =	shalt  }
0x75: {  	_ =	shalt  }
0x76: {  	_ =	shalt  }
0x77: {  	_ =	shalt  }
0x78: {  	_ =	shalt  }
0x79: {  	_ =	shalt  }
0x7a: {  	_ =	shalt  }
0x7b: {  	_ =	shalt  }
0x7c: {  	_ =	shalt  }
0x7d: {  	_ =	shalt  }
0x7e: {  	_ =	shalt  }
0x7f: {  	_ =	shalt  }
0x80: {  	_ =	shalt  }
0x81: {  	_ =	shalt  }
0x82: {  	_ =	shalt  }
0x83: {  	_ =	shalt  }
0x84: {  	_ =	shalt  }
0x85: {  	_ =	shalt  }
0x86: {  	_ =	shalt  }
0x87: {  	_ =	shalt  }
.Lfunc_end0:
.L_simem_size_0:
called_computation_lowered:
.L_overlay_start_0:
0x88: {  	s2 =	sld [smem:$0x3FD9]  }
0x89: {  	s3 =	sld [smem:$0x3FFE];
	_ =	sdelay $0x1  }
0x8a: {  	s1 =	srdreg.scid  }
0x8b: {  	s0 =	sand.u32 $0x1, s1  }
0x8c: {  	s16 =	sshll.u32 s0, $0xA;
	s2 =	sadd.s32 s3, s2  }
0x8d: {  	s2 =	sadd.s32 s2, s16  }
0x8e: {  	[smem:$0x3FB0] =	sst s2  }
0x8f: {  	_ = 	snop  }
0x90: {  	(tm) =	ssettm $0x1  }
0x91: {  	s17 =	sld [smem:$0x3FFB];
	_ =	sdelay $0x3  }
0x92: {  	_ =	strace s17  }
0x93: {  	s2 =	sld [smem:$0x3FFC];
	_ =	sdelay $0x3  }
0x94: {  	_ =	strace s2  }
0x95: {  	s2 =	sld [smem:$0x3FFD];
	_ =	sdelay $0x3  }
0x96: {  	_ =	strace s2  }
0x97: {  	_ =	strace $0x8FFFFFFF  }
0x98: {  	s18 =	sld [smem:$0x3FDB];
	_ =	sdelay $0x1  }
0x99: {  	s19 =	simm.s32 $_scs_section_size  }
0x9a: {  	s4 =	simm.s32 $_size__tile_overlayer_lowered;
	s5 =	simm.s32 $_tile_overlayer_lowered  }
0x9b: {  	s22 =	simm.s32 $0x1BFF;
	s21 =	sshll.u32 s5, $0x1;
	s2 =	sadd.s32 s19, s18  }
0x9c: {  	s6 =	simm.s32 $0x0;
	s20 =	sshll.u32 s4, $0x1;
	s4 =	sadd.s32 s21, s2  }
0x9d: {  	[timem:s6], [sflag:s22] =	dma.local [hbm:s4], s20  }
0x9e: {  	_ =	swait.ge [sflag:s22], s20  }
0x9f: {  	s3 =	ssub.s32 $0x0, s20;
	[sflag:s22] =	ssyncset.done $0x0  }
0xa0: {  	[sflag:s22] =	ssyncadd.s32 s3;
	_ =	sdelay $0x1  }
0xa1: {  	s23 =	simm.s32 $0x1B8B  }
0xa2: {  	_ =	swait.ge [sflag:s23], $0x1  }
0xa3: {  	[sflag:s23] =	ssyncset.done $0x0  }
0xa4: {  	s25 =	simm.s32 $0x1B8E;
	s24 =	sld [smem:$0x3FFE];
	[sflag:s23] =	ssyncadd.s32 $0xFFFFFFFF  }
0xa5: {  	s26 =	simm.s32 $execute0_lowered;
	[smem:$0x3FD2] =	sst s25  }
0xa6: {  	s4 =	sshll.u32 s26, $0x1;
	_ =	strace $0x80000046;
	[dreg:$0x1] =	wrdreg $0xFFFFFFFF  }
0xa7: {  	s28 =	simm.s32 $_size_execute0_lowered;
	s2 =	sadd.s32 s2, s4;
	[dreg:$0x0] =	wrdreg $0x0  }
0xa8: {  	s4 =	sshll.u32 s28, $0x1;
	[dreg:$0x2] =	wrdreg s2  }
0xa9: {  	[dreg:$0x3] =	wrdreg s4  }
0xaa: {  	[dreg:$0x4] =	wrdreg $0xC0  }
0xab: {  	_ =	task [dreg:s6], $0x5FFFF  }
0xac: {  	[dreg:$0x1] =	wrdreg $0xFFFFFFFF  }
0xad: {  	[dreg:$0x0] =	wrdreg $0x60  }
0xae: {  	[dreg:$0x2] =	wrdreg s24  }
0xaf: {  	[dreg:$0x3] =	wrdreg $0x92000  }
0xb0: {  	[dreg:$0x4] =	wrdreg $0x9  }
0xb1: {  	_ =	task.clear_ibuf [dreg:s6], $0x5FFFF;
	_ =	strace $0x90000046  }
0xb2: {  	s29 =	simm.s32 $0x9;
	_ =	strace $0x80000048  }
0xb3: {  	_ =	swait.ge [sflag:s29], $0x1  }
0xb4: {  	[sflag:s29] =	ssyncadd.s32 $0xFFFFFFFF  }
0xb5: {  	_ =	strace $0x90000048  }
0xb6: {  	_ =	sfence  }
0xb7: {  	s30 =	sld [smem:$0x0];
	_ =	sdelay $0x2  }
0xb8: {  	s31 =	sshll.u32 s1, $0xD;
	s1 =	sshrl.u32 s1, $0x2  }
0xb9: {  	s3 =	sand.u32 $0x4000, s31;
	s1 =	sadd.s32 s1, s30  }
0xba: {  	s0 =	sor.u32 s3, s0;
	s1 =	sshll.u32 s1, $0x11  }
0xbb: {  	s0 =	sor.u32 s1, s0  }
0xbc: {  	s0 =	sadd.s32 $0x8F2B, s0  }
0xbd: {  	[sflag:s0] =	ssyncadd.remote.s32 $0x1  }
0xbe: {  	_ =	sfence.sel $0xFFFF  }
0xbf: {  	[dreg:$0x0] =	wrdreg $0xFFFFFFFF;
	(pc) =	sbr.abs _section_cstart, $3  }
0xc0: {  	[dreg:$0x1] =	wrdreg $0xFFFFFFFF  }
0xc1: {  	_ =	task.clear_ibuf [dreg:s6], $0x2FFFF;
	_ =	strace $0x9FFFFFFF  }
0xc2: {  	(tm) =	ssettm $0x7FFFFFFF  }
0xc3: {  	_ =	shalt  }
tec
execute0_lowered:
.L_overlay_start_1:
0x0: {  	(tag) =	ssettag $0x1  }
0x1: {  	s0 =	rddreg [dreg:$0x0]  }
0x2: {  	s2 =	rddreg [dreg:$0x1];
	s1 =	srdreg.scid  }
0x3: {  	s10 =	stileid.u32;
	s3 =	simm.s32 $0x0;
	s28 =	simm.s32 $0x2  }
0x4: {  	s29 =	simm.s32 $0x0;
	s1 =	sand.u32 $0x1, s1;
	s5 =	smul.u32 $0x280, s10  }
0x5: {  	[smem:$0x7FF] =	sst s3;
	s4 =	sadd.s32 $0x17A00, s0;
	s25 =	smul.u32 $0x5A000, s10  }
0x6: {  	s7 =	sshll.u32 s10, $0x1;
	s19 =	sadd.s32 $0xDC00, s0;
	s14 =	smul.u32 $0x4F00, s10  }
0x7: {  	s22 =	sadd.s32 $0x44A00, s0;
	s6 =	smul.u32 $0x2800, s1;
	_ =	strace $0x80000047  }
0x8: {  	s20 =	sor.u32 s1, s7;
	s21 =	ssub.s32 $0x2, s1;
	s1 =	smul.u32 $0x2780, s1  }
0x9: {  	[dreg:$0x3] =	wrdreg s22;
	s22 =	simm.s32 $0x80;
	s9 =	smul.u32 $0x2780, s20  }
0xa: {  	s23 =	sshrl.u32 s21, $0x1;
	s30 =	sshrl.u32 s25, $0x2;
	s20 =	simm.s32 $0x200  }
0xb: {  	s25 =	simm.s32 $0x1;
	s6 =	sadd.s32 s5, s6;
	s5 =	sadd.s32 $0x3E00, s0  }
0xc: {  	s11 =	ssub.s32 s21, s23;
	s10 =	sadd.s32 s30, s2;
	s31 =	sadd.s32 s1, s14  }
0xd: {  	s21 =	simm.s32 $0x3;
	s23 =	simm.s32 $0x4A00;
	s8 =	smul.u32 $0x12, s6  }
0xe: {  	s24 =	sshrl.u32 s9, $0x3;
	s11 =	smax.u32 s11, $0x1;
	s12 =	sadd.s32 $0x4800, s10  }
0xf: {  	s13 =	sadd.s32 $0x9000, s10;
	s14 =	sadd.s32 $0xD800, s10;
	s15 =	sadd.s32 $0x12000, s10  }
0x10: {  	s1 =	sadd.s32 $0x80, s31;
	s16 =	sadd.s32 $0x100, s31;
	s26 =	sadd.s32 s5, s24  }
0x11: {  	s1 =	sshrl.u32 s1, $0x3;
	s0 =	sadd.s32 s8, s0;
	[dreg:$0x4] =	wrdreg s26  }
0x12: {  	s8 =	sadd.s32 s19, s24;
	s17 =	sadd.s32 s1, s19;
	s18 =	sadd.s32 s1, s5  }
0x13: {  	s24 =	simm.s32 $0x100;
	s9 =	sadd.s32 $0x45400, s0;
	s0 =	sshrl.u32 s31, $0x3  }
0x14: {  	s26 =	simm.s32 $0x180;
	s8 =	sadd.s32 $0x4E0, s8;
	s19 =	sadd.s32 s0, s19  }
.LBB2_1:
0x15: {  	s0 =	rddreg [dreg:$0x3]  }
0x16: {  	[tilespmem:s20], [sflag:$0x3] =	stream.linear.gather [hbm4b:s0+s3], $0x4800, $0x38;
	[tilespmem:$0x1FA00] =	vst v63  }
0x17: {  	_ =	swait.ge [sflag:s21], $0x4800  }
0x18: {  	[sflag:s21] =	ssyncset.done $0x0  }
0x19: {  	[sflag:s21] =	ssyncadd.s32 $0xFFFFB800  }
0x1a: {  	[spmem:s10] =	stream.linear.scatter [tilespmem:s20], [sflag:$0x3], $0x4800, $0x38;
	[tilespmem:$0x1FA00] =	vst v63  }
0x1b: {  	_ =	swait.ge [sflag:s21], $0x4800  }
0x1c: {  	[sflag:s21] =	ssyncset.done $0x0  }
0x1d: {  	[sflag:s21] =	ssyncadd.s32 $0xFFFFB800  }
0x1e: {  	[spmem:s12] =	stream.linear.scatter [tilespmem:s20], [sflag:$0x3], $0x4800, $0x38;
	[tilespmem:$0x1FA00] =	vst v63  }
0x1f: {  	_ =	swait.ge [sflag:s21], $0x4800  }
0x20: {  	[sflag:s21] =	ssyncset.done $0x0  }
0x21: {  	[sflag:s21] =	ssyncadd.s32 $0xFFFFB800  }
0x22: {  	[spmem:s13] =	stream.linear.scatter [tilespmem:s20], [sflag:$0x3], $0x4800, $0x38;
	[tilespmem:$0x1FA00] =	vst v63  }
0x23: {  	_ =	swait.ge [sflag:s21], $0x4800  }
0x24: {  	[sflag:s21] =	ssyncset.done $0x0  }
0x25: {  	[sflag:s21] =	ssyncadd.s32 $0xFFFFB800  }
0x26: {  	[spmem:s14] =	stream.linear.scatter [tilespmem:s20], [sflag:$0x3], $0x4800, $0x38;
	[tilespmem:$0x1FA00] =	vst v63  }
0x27: {  	_ =	swait.ge [sflag:s21], $0x4800  }
0x28: {  	[sflag:s21] =	ssyncset.done $0x0  }
0x29: {  	[sflag:s21] =	ssyncadd.s32 $0xFFFFB800  }
0x2a: {  	[spmem:s15] =	stream.linear.scatter [tilespmem:s20], [sflag:$0x3], $0x4800, $0x38;
	[tilespmem:$0x1FA00] =	vst v63  }
0x2b: {  	_ =	swait.ge [sflag:s21], $0x4800  }
0x2c: {  	[sflag:s21] =	ssyncset.done $0x0  }
0x2d: {  	s6 =	rddreg [dreg:$0x4];
	[sflag:s21] =	ssyncadd.s32 $0xFFFFB800  }
0x2e: {  	[tilespmem:s3], [sflag:$0x3] =	stream.linear.gather [hbm4b:s6+s3], $0x80, $0x38;
	[tilespmem:$0x1FA00] =	vst v63  }
0x2f: {  	_ =	swait.ge [sflag:s21], $0x80  }
0x30: {  	[sflag:s21] =	ssyncset.done $0x0  }
0x31: {  	[sflag:s21] =	ssyncadd.s32 $0xFFFFFF80  }
0x32: {  	[tilespmem:s20], [sflag:$0x1] =	stream.indirect.gather [hbm4b:s4+s22], $0x90, s3, s22, $0xb8;
	[tilespmem:$0x1FA00] =	vst v63  }
0x33: {  	s7 =	sadd.s32 $0x0, s18;
	[bflag:$0x0] =	sbarrier.arrive $0xFFFF  }
0x34: {  	[tilespmem:s22], [sflag:$0x3] =	stream.linear.gather [hbm4b:s7+s3], $0x80, $0x38;
	[tilespmem:$0x1FA00] =	vst v63  }
0x35: {  	_ =	swait.ge [sflag:s21], $0x80  }
0x36: {  	[sflag:s21] =	ssyncset.done $0x0  }
0x37: {  	[sflag:s21] =	ssyncadd.s32 $0xFFFFFF80  }
0x38: {  	[tilespmem:s23], [sflag:$0x2] =	stream.indirect.gather [hbm4b:s4+s22], $0x90, s22, s22, $0xb8;
	[tilespmem:$0x1FA00] =	vst v63  }
0x39: {  	s1 =	sadd.s32 $0x0, s19  }
0x3a: {  	[tilespmem:s24], [sflag:$0x3] =	stream.linear.gather [hbm4b:s1+s3], $0x80, $0x38;
	[tilespmem:$0x1FA00] =	vst v63  }
0x3b: {  	_ =	swait.ge [sflag:s21], $0x80  }
0x3c: {  	[sflag:s21] =	ssyncset.done $0x0  }
0x3d: {  	[sflag:s21] =	ssyncadd.s32 $0xFFFFFF80  }
0x3e: {  	_ =	swait.ge [sflag:s25], $0x4800  }
0x3f: {  	[sflag:s25] =	ssyncset.done $0x0  }
0x40: {  	[sflag:s25] =	ssyncadd.s32 $0xFFFFB800  }
0x41: {  	[spmem:s2] =	stream.indirect.scatter.add.f32 [tilespmem:s20], [sflag:$0x3], $0x90, s24, s22, $0xb8;
	[tilespmem:$0x1FA00] =	vst v63  }
0x42: {  	_ =	swait.ge [sflag:s21], $0x4800  }
0x43: {  	s6 =	sshrl.u32 s16, $0x3;
	[sflag:s21] =	ssyncset.done $0x0  }
0x44: {  	s0 =	sadd.s32 s5, s6;
	[sflag:s21] =	ssyncadd.s32 $0xFFFFB800  }
0x45: {  	[tilespmem:s3], [sflag:$0x3] =	stream.linear.gather [hbm4b:s0+s3], $0x80, $0x38;
	[tilespmem:$0x1FA00] =	vst v63  }
0x46: {  	_ =	swait.ge [sflag:s21], $0x80  }
0x47: {  	[sflag:s21] =	ssyncset.done $0x0  }
0x48: {  	[sflag:s21] =	ssyncadd.s32 $0xFFFFFF80  }
0x49: {  	[tilespmem:s20], [sflag:$0x1] =	stream.indirect.gather [hbm4b:s4+s22], $0x90, s3, s22, $0xb8;
	[tilespmem:$0x1FA00] =	vst v63  }
0x4a: {  	s7 =	sadd.s32 $0x0, s17  }
0x4b: {  	[tilespmem:s26], [sflag:$0x3] =	stream.linear.gather [hbm4b:s7+s3], $0x80, $0x38;
	[tilespmem:$0x1FA00] =	vst v63  }
0x4c: {  	_ =	swait.ge [sflag:s21], $0x80  }
0x4d: {  	[sflag:s21] =	ssyncset.done $0x0  }
0x4e: {  	[sflag:s21] =	ssyncadd.s32 $0xFFFFFF80  }
0x4f: {  	_ =	swait.ge [sflag:s28], $0x4800  }
0x50: {  	[sflag:s28] =	ssyncset.done $0x0  }
0x51: {  	[sflag:s28] =	ssyncadd.s32 $0xFFFFB800  }
0x52: {  	[spmem:s2] =	stream.indirect.scatter.add.f32 [tilespmem:s23], [sflag:$0x3], $0x90, s26, s22, $0xb8;
	[tilespmem:$0x1FA00] =	vst v63  }
0x53: {  	s30 =	simm.s32 $0x20;
	_ =	swait.ge [sflag:s21], $0x4800  }
0x54: {  	s31 =	sadd.s32 $0x100, s16;
	s0 =	simm.s32 $0x40;
	[sflag:s21] =	ssyncset.done $0x0  }
.LBB2_2:
0x55: {  	s6 =	sadd.s32 s30, s18  }
0x56: {  	[sflag:s21] =	ssyncadd.s32 $0xFFFFB800;
	s7 =	smov.u32 s0;
	s1 =	sadd.s32 $0x20, s0  }
0x57: {  	[tilespmem:s22], [sflag:$0x3] =	stream.linear.gather [hbm4b:s6+s3], $0x80, $0x38;
	[tilespmem:$0x1FA00] =	vst v63  }
0x58: {  	p0 =	sne.s32 s0, $0x4C0;
	_ =	swait.ge [sflag:s21], $0x80  }
0x59: {  	[sflag:s21] =	ssyncset.done $0x0  }
0x5a: {  	[sflag:s21] =	ssyncadd.s32 $0xFFFFFF80  }
0x5b: {  	[tilespmem:s23], [sflag:$0x2] =	stream.indirect.gather [hbm4b:s4+s22], $0x90, s22, s22, $0xb8;
	[tilespmem:$0x1FA00] =	vst v63  }
0x5c: {  	s0 =	sadd.s32 s30, s19  }
0x5d: {  	[tilespmem:s24], [sflag:$0x3] =	stream.linear.gather [hbm4b:s0+s3], $0x80, $0x38;
	[tilespmem:$0x1FA00] =	vst v63  }
0x5e: {  	_ =	swait.ge [sflag:s21], $0x80  }
0x5f: {  	[sflag:s21] =	ssyncset.done $0x0  }
0x60: {  	[sflag:s21] =	ssyncadd.s32 $0xFFFFFF80  }
0x61: {  	_ =	swait.ge [sflag:s25], $0x4800  }
0x62: {  	[sflag:s25] =	ssyncset.done $0x0  }
0x63: {  	[sflag:s25] =	ssyncadd.s32 $0xFFFFB800  }
0x64: {  	[spmem:s2] =	stream.indirect.scatter.add.f32 [tilespmem:s20], [sflag:$0x3], $0x90, s24, s22, $0xb8;
	[tilespmem:$0x1FA00] =	vst v63  }
0x65: {  	_ =	swait.ge [sflag:s21], $0x4800  }
0x66: {  	s0 =	sshrl.u32 s31, $0x3;
	[sflag:s21] =	ssyncset.done $0x0  }
0x67: {  	s0 =	sadd.s32 s5, s0;
	[sflag:s21] =	ssyncadd.s32 $0xFFFFB800  }
0x68: {  	[tilespmem:s3], [sflag:$0x3] =	stream.linear.gather [hbm4b:s0+s3], $0x80, $0x38;
	[tilespmem:$0x1FA00] =	vst v63  }
0x69: {  	_ =	swait.ge [sflag:s21], $0x80  }
0x6a: {  	[sflag:s21] =	ssyncset.done $0x0  }
0x6b: {  	[sflag:s21] =	ssyncadd.s32 $0xFFFFFF80  }
0x6c: {  	[tilespmem:s20], [sflag:$0x1] =	stream.indirect.gather [hbm4b:s4+s22], $0x90, s3, s22, $0xb8;
	[tilespmem:$0x1FA00] =	vst v63  }
0x6d: {  	s0 =	sadd.s32 s30, s17;
	s30 =	smov.u32 s7  }
0x6e: {  	[tilespmem:s26], [sflag:$0x3] =	stream.linear.gather [hbm4b:s0+s3], $0x80, $0x38;
	[tilespmem:$0x1FA00] =	vst v63  }
0x6f: {  	_ =	swait.ge [sflag:s21], $0x80  }
0x70: {  	[sflag:s21] =	ssyncset.done $0x0  }
0x71: {  	[sflag:s21] =	ssyncadd.s32 $0xFFFFFF80  }
0x72: {  	_ =	swait.ge [sflag:s28], $0x4800  }
.Ltmp0:
0x73: {  	[sflag:s28] =	ssyncset.done $0x0;
	(pc) =	sbr.rel @p0 .LBB2_2-.Ltmp0, $4  }
0x74: {  	[sflag:s28] =	ssyncadd.s32 $0xFFFFB800  }
0x75: {  	[spmem:s2] =	stream.indirect.scatter.add.f32 [tilespmem:s23], [sflag:$0x3], $0x90, s26, s22, $0xb8;
	[tilespmem:$0x1FA00] =	vst v63  }
0x76: {  	_ =	swait.ge [sflag:s21], $0x4800  }
0x77: {  	s31 =	sadd.s32 $0x100, s31;
	s0 =	smov.u32 s1;
	[sflag:s21] =	ssyncset.done $0x0  }
0x78: {  	s0 =	sadd.s32 s30, s18;
	[sflag:s21] =	ssyncadd.s32 $0xFFFFB800  }
0x79: {  	[tilespmem:s22], [sflag:$0x3] =	stream.linear.gather [hbm4b:s0+s3], $0x80, $0x38;
	[tilespmem:$0x1FA00] =	vst v63  }
0x7a: {  	_ =	swait.ge [sflag:s21], $0x80  }
0x7b: {  	[sflag:s21] =	ssyncset.done $0x0  }
0x7c: {  	[sflag:s21] =	ssyncadd.s32 $0xFFFFFF80  }
0x7d: {  	[tilespmem:s23], [sflag:$0x2] =	stream.indirect.gather [hbm4b:s4+s22], $0x90, s22, s22, $0xb8;
	[tilespmem:$0x1FA00] =	vst v63  }
0x7e: {  	s6 =	sadd.s32 s30, s19  }
0x7f: {  	[tilespmem:s24], [sflag:$0x3] =	stream.linear.gather [hbm4b:s6+s3], $0x80, $0x38;
	[tilespmem:$0x1FA00] =	vst v63  }
0x80: {  	_ =	swait.ge [sflag:s21], $0x80  }
0x81: {  	[sflag:s21] =	ssyncset.done $0x0  }
0x82: {  	[sflag:s21] =	ssyncadd.s32 $0xFFFFFF80  }
0x83: {  	_ =	swait.ge [sflag:s25], $0x4800  }
0x84: {  	[sflag:s25] =	ssyncset.done $0x0  }
0x85: {  	[sflag:s25] =	ssyncadd.s32 $0xFFFFB800  }
0x86: {  	[spmem:s2] =	stream.indirect.scatter.add.f32 [tilespmem:s20], [sflag:$0x3], $0x90, s24, s22, $0xb8;
	[tilespmem:$0x1FA00] =	vst v63  }
0x87: {  	_ =	swait.ge [sflag:s21], $0x4800  }
0x88: {  	s7 =	sshrl.u32 s31, $0x3;
	[sflag:s21] =	ssyncset.done $0x0  }
0x89: {  	s0 =	sadd.s32 s5, s7;
	[sflag:s21] =	ssyncadd.s32 $0xFFFFB800  }
0x8a: {  	[tilespmem:s3], [sflag:$0x3] =	stream.linear.gather [hbm4b:s0+s3], $0x80, $0x38;
	[tilespmem:$0x1FA00] =	vst v63  }
0x8b: {  	_ =	swait.ge [sflag:s21], $0x80  }
0x8c: {  	[sflag:s21] =	ssyncset.done $0x0  }
0x8d: {  	[sflag:s21] =	ssyncadd.s32 $0xFFFFFF80  }
0x8e: {  	[tilespmem:s20], [sflag:$0x1] =	stream.indirect.gather [hbm4b:s4+s22], $0x90, s3, s22, $0xb8;
	[tilespmem:$0x1FA00] =	vst v63  }
0x8f: {  	s30 =	sadd.s32 s30, s17  }
0x90: {  	[tilespmem:s26], [sflag:$0x3] =	stream.linear.gather [hbm4b:s30+s3], $0x80, $0x38;
	[tilespmem:$0x1FA00] =	vst v63  }
0x91: {  	_ =	swait.ge [sflag:s21], $0x80  }
0x92: {  	[sflag:s21] =	ssyncset.done $0x0  }
0x93: {  	[sflag:s21] =	ssyncadd.s32 $0xFFFFFF80  }
0x94: {  	_ =	swait.ge [sflag:s28], $0x4800  }
0x95: {  	[sflag:s28] =	ssyncset.done $0x0  }
0x96: {  	[sflag:s28] =	ssyncadd.s32 $0xFFFFB800  }
0x97: {  	[spmem:s2] =	stream.indirect.scatter.add.f32 [tilespmem:s23], [sflag:$0x3], $0x90, s26, s22, $0xb8;
	[tilespmem:$0x1FA00] =	vst v63  }
0x98: {  	_ =	swait.ge [sflag:s21], $0x4800  }
0x99: {  	[sflag:s21] =	ssyncset.done $0x0  }
0x9a: {  	[sflag:s21] =	ssyncadd.s32 $0xFFFFB800  }
0x9b: {  	[tilespmem:s24], [sflag:$0x3] =	stream.linear.gather [hbm4b:s8+s3], $0x80, $0x38;
	[tilespmem:$0x1FA00] =	vst v63  }
0x9c: {  	_ =	swait.ge [sflag:s21], $0x80  }
0x9d: {  	[sflag:s21] =	ssyncset.done $0x0  }
0x9e: {  	[sflag:s21] =	ssyncadd.s32 $0xFFFFFF80  }
0x9f: {  	_ =	swait.ge [sflag:s25], $0x4800  }
0xa0: {  	[sflag:s25] =	ssyncset.done $0x0  }
0xa1: {  	[sflag:s25] =	ssyncadd.s32 $0xFFFFB800  }
0xa2: {  	[spmem:s2] =	stream.indirect.scatter.add.f32 [tilespmem:s20], [sflag:$0x3], $0x90, s24, s22, $0xb8;
	[tilespmem:$0x1FA00] =	vst v63  }
0xa3: {  	s31 =	stileid.u32;
	_ =	swait.ge [sflag:s21], $0x4800  }
0xa4: {  	s1 =	sshrl.u32 s10, $0x3;
	s29 =	sadd.s32 $0x1, s29;
	[sflag:s21] =	ssyncset.done $0x0  }
0xa5: {  	p0 =	sne.s32 s29, s11;
	s0 =	sshll.u32 s31, $0x6;
	[sflag:s21] =	ssyncadd.s32 $0xFFFFB800  }
.Ltmp1:
0xa6: {  	s0 =	sor.u32 $0x1C03, s0;
	[bflag:$0x0] =	sbarrier.arrive $0xFFFF;
	(pc) =	sbr.rel @p0 .LBB2_1-.Ltmp1, $4  }
0xa7: {  	[hbm:s9], [sflag:s0] =	dma.local [spmem:s1], $0x2D00  }
0xa8: {  	_ =	swait.ge [sflag:s21], $0x2D00  }
0xa9: {  	[sflag:s21] =	ssyncset.done $0x0  }
0xaa: {  	[sflag:s21] =	ssyncadd.s32 $0xFFFFD300  }
0xab: {  	_ =	sfence.sel $0x180000  }
0xac: {  	[bflag:$0x0] =	sbarrier.arrive $0xFFFF  }
0xad: {  	_ =	strace $0x90000047  }
0xae: {  	s0 =	stileid.u32;
	[bflag:$0x2] =	sbarrier.arrive $0xFFFF  }
0xaf: {  	p0 =	sne.s32 s0, $0x0;
	s0 =	rddreg [dreg:$0x2]  }
0xb0: {  	s0 =	sadd.s32 @!p0 $0x100000, s0  }
0xb1: {  	[sflag:s0] =	ssyncadd.tile.s32 @!p0 $0x1;
	_ =	shalt  }
.Lfunc_end2:
_tile_overlayer_lowered:
.L_overlay_start_2:
0xb2: {  	(tag) =	ssettag $0x2  }
0xb3: {  	s0 =	rddreg [dreg:$0x0];
	s2 =	stileid.u32  }
0xb4: {  	s1 =	rddreg [dreg:$0x1];
	p0 =	sne.s32 s2, $0x0  }
0xb5: {  	s3 =	rddreg [dreg:$0x2];
	[bflag:$0x3] =	sbarrier.arrive $0xFFFF;
	s2 =	simm.s32 @!p0 $0x1C03  }
0xb6: {  	[timem:s3], [sflag:s2] =	dma.local @!p0 [hbm:s0], s1  }
0xb7: {  	s0 =	simm.s32 @!p0 $0x3  }
0xb8: {  	_ =	swait.ge @!p0 [sflag:s0], s1  }
0xb9: {  	s1 =	ssub.s32 @!p0 $0x0, s1;
	[sflag:s0] =	ssyncset.done @!p0 $0x0  }
0xba: {  	[sflag:s0] =	ssyncadd.s32 @!p0 s1  }
0xbb: {  	[bflag:$0x3] =	sbarrier.arrive $0xFFFF  }
0xbc: {  	_ =	shalt  }

</sc_bundles>
